<compile_context>
chip_gen: v7x
topology: tpu7x:2x2x1
jax: 0.10.2.dev20260603
libtpu: 0.0.44.dev20260713+nightly
codegen_flags: <defaults>
</compile_context>

<pallas_src>
import functools

import jax
import jax.numpy as jnp
from jax import lax
from jax.experimental import pallas as pl
from jax.experimental.pallas import tpu as pltpu
from jax.experimental.pallas import tpu_sc as plsc

H = 1024
BZ = 1024
KB = 4096
STEPS = 4
KT = 1024
NK = STEPS * KB
D = (512, 256, 256)
OFF = (0, 512, 768)

_IDX_BITS = (KT - 1).bit_length()
_IDX_MASK = (1 << _IDX_BITS) - 1
_ONE_BITS = 0x3F800000

_NC, _NS = 2, 16
_NW = _NC * _NS
_B_PER_W = BZ // _NW


def _search_body(query_ref, keys_ref, w_ref, vbits_ref, idx_ref, qp_ref,
                 kp0_ref, kp1_ref, kp2_ref, qnt_ref, wbf_ref):
    i = pl.program_id(0)
    j = pl.program_id(1)
    g = i * (KB // KT) + j

    @pl.when(g == 0)
    def _init():
        w = w_ref[...]
        wbf = w.astype(jnp.bfloat16)
        wbf_ref[...] = wbf
        qp = lax.dot(query_ref[...].astype(jnp.bfloat16), wbf,
                     preferred_element_type=jnp.float32)
        qp_ref[...] = qp
        for u in range(3):
            q = qp[:, OFF[u]:OFF[u] + D[u]]
            n = jnp.sqrt(jnp.sum(q * q, axis=1, keepdims=True))
            qn = q / jnp.maximum(n, 1e-8)
            qnt_ref[OFF[u]:OFF[u] + D[u], :] = qn.T.astype(jnp.bfloat16)
        vbits_ref[...] = jnp.full((8, BZ), _ONE_BITS, jnp.int32)
        idx_ref[...] = jnp.zeros((8, BZ), jnp.int32)

    keys_bf = keys_ref[0].astype(jnp.bfloat16)
    kp = lax.dot(keys_bf, wbf_ref[...],
                 preferred_element_type=jnp.float32)
    base = g * KT
    row = lax.broadcasted_iota(jnp.int32, (KT, BZ), 0)
    rbits = _IDX_MASK - row
    for u, kpu_ref in ((0, kp0_ref), (1, kp1_ref), (2, kp2_ref)):
        kpu = kp[:, OFF[u]:OFF[u] + D[u]]
        kpu_ref[...] = kpu
        inv = 1.0 / jnp.maximum(
            jnp.sqrt(jnp.sum(kpu * kpu, axis=1, keepdims=True)), 1e-3)
        kpn = (kpu * inv).astype(jnp.bfloat16)
        st = lax.dot(kpn, qnt_ref[OFF[u]:OFF[u] + D[u], :],
                     preferred_element_type=jnp.float32)
        packed = (lax.bitcast_convert_type(st + 2.0, jnp.int32)
                  & jnp.int32(~_IDX_MASK)) | rbits
        pmax = jnp.max(packed, axis=0)
        pv = pmax & jnp.int32(~_IDX_MASK)
        gidx = base + (_IDX_MASK - (pmax & _IDX_MASK))
        better = pv > vbits_ref[u, :]
        vbits_ref[u, :] = jnp.where(better, pv, vbits_ref[u, :])
        idx_ref[u, :] = jnp.where(better, gidx, idx_ref[u, :])


_search = pl.pallas_call(
    _search_body,
    grid=(STEPS, KB // KT),
    in_specs=[
        pl.BlockSpec((BZ, H), lambda i, j: (0, 0)),
        pl.BlockSpec((1, KT, H), lambda i, j: (i, j, 0)),
        pl.BlockSpec((H, H), lambda i, j: (0, 0)),
    ],
    out_specs=[
        pl.BlockSpec((8, BZ), lambda i, j: (0, 0)),
        pl.BlockSpec((8, BZ), lambda i, j: (0, 0)),
        pl.BlockSpec((BZ, H), lambda i, j: (0, 0)),
        pl.BlockSpec((KT, D[0]), lambda i, j: (i * (KB // KT) + j, 0)),
        pl.BlockSpec((KT, D[1]), lambda i, j: (i * (KB // KT) + j, 0)),
        pl.BlockSpec((KT, D[2]), lambda i, j: (i * (KB // KT) + j, 0)),
    ],
    out_shape=[
        jax.ShapeDtypeStruct((8, BZ), jnp.int32),
        jax.ShapeDtypeStruct((8, BZ), jnp.int32),
        jax.ShapeDtypeStruct((BZ, H), jnp.float32),
        jax.ShapeDtypeStruct((NK, D[0]), jnp.float32),
        jax.ShapeDtypeStruct((NK, D[1]), jnp.float32),
        jax.ShapeDtypeStruct((NK, D[2]), jnp.float32),
    ],
    scratch_shapes=[
        pltpu.VMEM((H, BZ), jnp.bfloat16),
        pltpu.VMEM((H, H), jnp.bfloat16),
    ],
)


def _gather_diag(kp0, kp1, kp2, idx):
    mesh = plsc.VectorSubcoreMesh(core_axis_name="c", subcore_axis_name="s")

    @functools.partial(
        pl.kernel, mesh=mesh,
        out_type=[
            jax.ShapeDtypeStruct((BZ, D[0]), jnp.float32),
            jax.ShapeDtypeStruct((BZ, D[1]), jnp.float32),
            jax.ShapeDtypeStruct((BZ, D[2]), jnp.float32),
        ],
        scratch_types=[
            pltpu.VMEM((_B_PER_W,), jnp.int32),
            pltpu.VMEM((_B_PER_W, D[0]), jnp.float32),
            pltpu.VMEM((_B_PER_W, D[1]), jnp.float32),
            pltpu.VMEM((_B_PER_W, D[2]), jnp.float32),
            pltpu.SemaphoreType.DMA,
        ],
    )
    def k(kp0_hbm, kp1_hbm, kp2_hbm, idx_hbm,
          o0_hbm, o1_hbm, o2_hbm, idx_v, r0_v, r1_v, r2_v, sem):
        wid = lax.axis_index("s") * _NC + lax.axis_index("c")
        base = wid * _B_PER_W
        for u, kp_hbm, r_v, o_hbm in ((0, kp0_hbm, r0_v, o0_hbm),
                                      (1, kp1_hbm, r1_v, o1_hbm),
                                      (2, kp2_hbm, r2_v, o2_hbm)):
            pltpu.sync_copy(idx_hbm.at[u, pl.ds(base, _B_PER_W)], idx_v)
            pltpu.async_copy(kp_hbm.at[idx_v], r_v, sem).wait()
            pltpu.sync_copy(r_v, o_hbm.at[pl.ds(base, _B_PER_W)])

    return k(kp0, kp1, kp2, idx)


def _final_body(qp_ref, d0_ref, d1_ref, d2_ref, vbits_ref, out_ref):
    acc = jnp.float32(0.0)
    for u, d_ref in ((0, d0_ref), (1, d1_ref), (2, d2_ref)):
        diag = d_ref[...]
        alive = vbits_ref[u, :] > jnp.int32(_ONE_BITS)
        q = qp_ref[:, OFF[u]:OFF[u] + D[u]]
        dot = jnp.sum(q * diag, axis=1)
        nq = jnp.sqrt(jnp.sum(q * q, axis=1))
        nd = jnp.sqrt(jnp.sum(diag * diag, axis=1))
        cos = jnp.where(alive, dot / jnp.maximum(nq * nd, 1e-8), 0.0)
        acc = acc + D[u] * jnp.sum(cos)
    loss = -acc / (BZ * H)
    out_ref[...] = jnp.full((8, 128), loss, jnp.float32)


_final = pl.pallas_call(
    _final_body,
    in_specs=[
        pl.BlockSpec((BZ, H), lambda: (0, 0)),
        pl.BlockSpec((BZ, D[0]), lambda: (0, 0)),
        pl.BlockSpec((BZ, D[1]), lambda: (0, 0)),
        pl.BlockSpec((BZ, D[2]), lambda: (0, 0)),
        pl.BlockSpec((8, BZ), lambda: (0, 0)),
    ],
    out_specs=pl.BlockSpec((8, 128), lambda: (0, 0)),
    out_shape=jax.ShapeDtypeStruct((8, 128), jnp.float32),
)


def kernel(query, keys, W):
    vbits, idx, qp, kp0, kp1, kp2 = _search(query, keys, W)
    d0, d1, d2 = _gather_diag(kp0, kp1, kp2, idx)
    out = _final(qp, d0, d1, d2, vbits)
    return out[0, 0]

# --- scband reference (transcript-rebuilt; emitter-appended) ---
"""Pipeline reference for scband-new-uneven-rtrainer-85461259256171 (READ-ONLY COPY).

The authoritative reference and input builder live on the scoring server;
editing this copy changes nothing except your own understanding.
"""

import jax, jax.numpy as jnp
import numpy as np

H_DIM = 1024
PARTITION = [512, 256, 256]
_PARTITION = [(512, 1), (256, 2)]  # (subspace_dim, count), ordered as in OrderedDict grouping
NUM_STEPS = 4
BZ = 1024
KB = 4096


def _get_subspace_h(h, W):
    bz = h.shape[0]
    h = h @ W
    sizes = [d * num for d, num in _PARTITION]
    offs = np.cumsum([0] + sizes)
    out = []
    for i, (d, num) in enumerate(_PARTITION):
        part = h[:, offs[i]:offs[i + 1]].reshape(bz, num, d).transpose(1, 0, 2)
        out.append(part)
    return out


def setup_inputs(seed: int = 0) -> dict:
    key = jax.random.key(seed)
    k1, k2, k3 = jax.random.split(key, 3)
    query = jax.random.normal(k1, (BZ, H_DIM), dtype=jnp.float32)
    keys = jax.random.normal(k2, (NUM_STEPS, KB, H_DIM), dtype=jnp.float32)
    A = jax.random.normal(k3, (H_DIM, H_DIM), dtype=jnp.float32)
    W, _ = jnp.linalg.qr(A)  # orthogonal rotation matrix (parametrized-orthogonal weight)
    return {"query": query, "keys": keys, "W": W}


def reference(query, keys, W):
    bz = query.shape[0]
    num_unit = len(PARTITION)
    query_h = _get_subspace_h(query, W)
    query_h_normed = [h / jnp.clip(jnp.linalg.norm(h, axis=-1, keepdims=True), 1e-8, None) for h in query_h]
    most_sim_value = -jnp.ones((num_unit, bz), dtype=jnp.float32)
    most_sim_vec = jnp.zeros((num_unit, bz, H_DIM), dtype=jnp.float32)
    for i in range(NUM_STEPS):
        key_h = keys[i]
        sk = _get_subspace_h(key_h, W)
        sk = [h / jnp.clip(jnp.linalg.norm(h, axis=-1, keepdims=True), 1e-3, None) for h in sk]
        sims = [jnp.einsum('nbd,nkd->nbk', q, k) for q, k in zip(query_h_normed, sk)]
        sim = jnp.concatenate(sims, axis=0)  # [num_unit, bz, KB]
        max_v = sim.max(axis=-1)
        max_idx = sim.argmax(axis=-1)
        m = max_v > most_sim_value
        most_sim_value = jnp.where(m, max_v, most_sim_value)
        cand = jnp.take(key_h, max_idx, axis=0)  # [num_unit, bz, H_DIM] gather
        most_sim_vec = jnp.where(m[..., None], cand, most_sim_vec)
    most_sim_vec = jax.lax.stop_gradient(most_sim_vec)  # selection was under no_grad
    rot = (most_sim_vec.reshape(num_unit * bz, H_DIM) @ W).reshape(num_unit, bz, H_DIM)
    sizes = [d * num for d, num in _PARTITION]
    offs = list(np.cumsum([0] + sizes))
    nums = [num for _, num in _PARTITION]
    starts = list(np.cumsum([0] + nums))
    sims_out = []
    for i, (d, n) in enumerate(_PARTITION):
        chunk = rot[starts[i]:starts[i + 1], :, offs[i]:offs[i + 1]]
        chunk = chunk.reshape(n, bz, n, d).transpose(0, 2, 1, 3)  # [n, n, bz, d]
        diag = jnp.stack([chunk[j, j] for j in range(n)], axis=0)  # eye-mask diagonal: [n, bz, d]
        q = query_h[i]
        dot = jnp.sum(q * diag, axis=-1)
        denom = jnp.maximum(jnp.linalg.norm(q, axis=-1) * jnp.linalg.norm(diag, axis=-1), 1e-8)
        sim_chunk = dot / denom  # F.cosine_similarity
        mean_sim = sim_chunk.mean(axis=1)
        sims_out.append(mean_sim * d)
    sim = jnp.concatenate(sims_out, axis=0).sum() / sum(PARTITION)
    loss = -sim
    return loss

if __name__ == "__main__":
    import jax
    _d = setup_inputs()
    print(jax.jit(kernel)(*tuple(_d.values())))

</pallas_src>

<mosaic_0001>
#map = affine_map<(d0, d1) -> (0, 0)>
module attributes {stable_mosaic.version = 14 : i64} {
  func.func @k(%arg0: i32, %arg1: i32, %arg2: memref<16384x512xf32, #tpu.memory_space<hbm>>, %arg3: memref<16384x256xf32, #tpu.memory_space<hbm>>, %arg4: memref<16384x256xf32, #tpu.memory_space<hbm>>, %arg5: memref<8x1024xi32, #tpu.memory_space<hbm>>, %arg6: memref<1024x512xf32, #tpu.memory_space<hbm>>, %arg7: memref<1024x256xf32, #tpu.memory_space<hbm>>, %arg8: memref<1024x256xf32, #tpu.memory_space<hbm>>, %arg9: memref<32xi32, #tpu.memory_space<vmem>>, %arg10: memref<32x512xf32, #tpu.memory_space<vmem>>, %arg11: memref<32x256xf32, #tpu.memory_space<vmem>>, %arg12: memref<32x256xf32, #tpu.memory_space<vmem>>, %arg13: memref<!tpu.dma_semaphore, #tpu.memory_space<semaphore_mem>>) attributes {dimension_semantics = [#tpu.dimension_semantics<core_parallel>, #tpu.dimension_semantics<subcore_parallel>], iteration_bounds = array<i64: 2, 16>, scalar_prefetch = 0 : i64, scratch_operands = 5 : i64, tpu.core_type = #tpu.core_type<sc_vector_subcore>, window_params = [{transform_indices = #map}, {transform_indices = #map}, {transform_indices = #map}, {transform_indices = #map}, {transform_indices = #map}, {transform_indices = #map}, {transform_indices = #map}]} {
    %mul3A = arith.constant 2 : i32
    %mul3A_0 = arith.muli %arg1, %mul3A : i32
    %add3A = arith.addi %mul3A_0, %arg0 : i32
    %mul3A_1 = arith.constant 32 : i32
    %mul3A_2 = arith.muli %add3A, %mul3A_1 : i32
    %run_scoped3A = arith.constant 0 : i32
    "tpu.region"() ({
      %run_scoped3A_21 = tpu.sem_alloc : memref<!tpu.dma_semaphore, #tpu.memory_space<semaphore_mem>>
      %dma_start3A_22 = tpu.memref_slice %arg5[%run_scoped3A, %mul3A_2] : memref<8x1024xi32, #tpu.memory_space<hbm>> -> memref<1x32xi32, #tpu.memory_space<hbm>>
      %dma_start3A_23 = tpu.memref_squeeze %dma_start3A_22 : memref<1x32xi32, #tpu.memory_space<hbm>> -> memref<32xi32, #tpu.memory_space<hbm>>
      %dma_start3A_24 = tpu.memref_slice %arg5[%run_scoped3A, %mul3A_2] : memref<8x1024xi32, #tpu.memory_space<hbm>> -> memref<1x32xi32, #tpu.memory_space<hbm>>
      %dma_start3A_25 = tpu.memref_squeeze %dma_start3A_24 : memref<1x32xi32, #tpu.memory_space<hbm>> -> memref<32xi32, #tpu.memory_space<hbm>>
      tpu.enqueue_dma source(%dma_start3A_25 : memref<32xi32, #tpu.memory_space<hbm>>) target(%arg9 : memref<32xi32, #tpu.memory_space<vmem>>) target_semaphore(%run_scoped3A_21 : memref<!tpu.dma_semaphore, #tpu.memory_space<semaphore_mem>>)
      %dma_wait3A_26 = tpu.memref_slice %arg5[%run_scoped3A, %mul3A_2] : memref<8x1024xi32, #tpu.memory_space<hbm>> -> memref<1x32xi32, #tpu.memory_space<hbm>>
      %dma_wait3A_27 = tpu.memref_squeeze %dma_wait3A_26 : memref<1x32xi32, #tpu.memory_space<hbm>> -> memref<32xi32, #tpu.memory_space<hbm>>
      %dma_wait3A_28 = tpu.memref_slice %arg5[%run_scoped3A, %mul3A_2] : memref<8x1024xi32, #tpu.memory_space<hbm>> -> memref<1x32xi32, #tpu.memory_space<hbm>>
      %dma_wait3A_29 = tpu.memref_squeeze %dma_wait3A_28 : memref<1x32xi32, #tpu.memory_space<hbm>> -> memref<32xi32, #tpu.memory_space<hbm>>
      tpu.wait_dma2 semaphore(%run_scoped3A_21 : memref<!tpu.dma_semaphore, #tpu.memory_space<semaphore_mem>>) src(%dma_wait3A_29 : memref<32xi32, #tpu.memory_space<hbm>>) dst(%arg9 : memref<32xi32, #tpu.memory_space<vmem>>)
      tpu.yield
    }) : () -> ()
    %dma_start3A = arith.constant 0 : i32
    %dma_start3A_3 = arith.constant 0 : i32
    %dma_start3A_4 = tpu.memref_slice %arg2[%dma_start3A, %dma_start3A_3] : memref<16384x512xf32, #tpu.memory_space<hbm>> -> memref<16384x512xf32, #tpu.memory_space<hbm>>
    tpu.enqueue_indirect_dma source(%dma_start3A_4 : memref<16384x512xf32, #tpu.memory_space<hbm>>) target(%arg10 : memref<32x512xf32, #tpu.memory_space<vmem>>) offsets(%arg9 : memref<32xi32, #tpu.memory_space<vmem>>) semaphore(%arg13 : memref<!tpu.dma_semaphore, #tpu.memory_space<semaphore_mem>>)
    %dma_wait3A = arith.constant 0 : i32
    %dma_wait3A_5 = arith.constant 0 : i32
    %dma_wait3A_6 = tpu.memref_slice %arg2[%dma_wait3A, %dma_wait3A_5] : memref<16384x512xf32, #tpu.memory_space<hbm>> -> memref<16384x512xf32, #tpu.memory_space<hbm>>
    tpu.wait_indirect_dma semaphore(%arg13 : memref<!tpu.dma_semaphore, #tpu.memory_space<semaphore_mem>>) src(%dma_wait3A_6 : memref<16384x512xf32, #tpu.memory_space<hbm>>) dst(%arg10 : memref<32x512xf32, #tpu.memory_space<vmem>>)
    "tpu.region"() ({
      %run_scoped3A_21 = tpu.sem_alloc : memref<!tpu.dma_semaphore, #tpu.memory_space<semaphore_mem>>
      %dma_start3A_22 = arith.constant 0 : i32
      %dma_start3A_23 = tpu.memref_slice %arg6[%mul3A_2, %dma_start3A_22] : memref<1024x512xf32, #tpu.memory_space<hbm>> -> memref<32x512xf32, #tpu.memory_space<hbm>>
      %dma_start3A_24 = arith.constant 0 : i32
      %dma_start3A_25 = tpu.memref_slice %arg6[%mul3A_2, %dma_start3A_24] : memref<1024x512xf32, #tpu.memory_space<hbm>> -> memref<32x512xf32, #tpu.memory_space<hbm>>
      tpu.enqueue_dma source(%arg10 : memref<32x512xf32, #tpu.memory_space<vmem>>) target(%dma_start3A_25 : memref<32x512xf32, #tpu.memory_space<hbm>>) target_semaphore(%run_scoped3A_21 : memref<!tpu.dma_semaphore, #tpu.memory_space<semaphore_mem>>)
      %dma_wait3A_26 = arith.constant 0 : i32
      %dma_wait3A_27 = tpu.memref_slice %arg6[%mul3A_2, %dma_wait3A_26] : memref<1024x512xf32, #tpu.memory_space<hbm>> -> memref<32x512xf32, #tpu.memory_space<hbm>>
      %dma_wait3A_28 = arith.constant 0 : i32
      %dma_wait3A_29 = tpu.memref_slice %arg6[%mul3A_2, %dma_wait3A_28] : memref<1024x512xf32, #tpu.memory_space<hbm>> -> memref<32x512xf32, #tpu.memory_space<hbm>>
      tpu.wait_dma2 semaphore(%run_scoped3A_21 : memref<!tpu.dma_semaphore, #tpu.memory_space<semaphore_mem>>) src(%arg10 : memref<32x512xf32, #tpu.memory_space<vmem>>) dst(%dma_wait3A_29 : memref<32x512xf32, #tpu.memory_space<hbm>>)
      tpu.yield
    }) : () -> ()
    %run_scoped3A_7 = arith.constant 1 : i32
    "tpu.region"() ({
      %run_scoped3A_21 = tpu.sem_alloc : memref<!tpu.dma_semaphore, #tpu.memory_space<semaphore_mem>>
      %dma_start3A_22 = tpu.memref_slice %arg5[%run_scoped3A_7, %mul3A_2] : memref<8x1024xi32, #tpu.memory_space<hbm>> -> memref<1x32xi32, #tpu.memory_space<hbm>>
      %dma_start3A_23 = tpu.memref_squeeze %dma_start3A_22 : memref<1x32xi32, #tpu.memory_space<hbm>> -> memref<32xi32, #tpu.memory_space<hbm>>
      %dma_start3A_24 = tpu.memref_slice %arg5[%run_scoped3A_7, %mul3A_2] : memref<8x1024xi32, #tpu.memory_space<hbm>> -> memref<1x32xi32, #tpu.memory_space<hbm>>
      %dma_start3A_25 = tpu.memref_squeeze %dma_start3A_24 : memref<1x32xi32, #tpu.memory_space<hbm>> -> memref<32xi32, #tpu.memory_space<hbm>>
      tpu.enqueue_dma source(%dma_start3A_25 : memref<32xi32, #tpu.memory_space<hbm>>) target(%arg9 : memref<32xi32, #tpu.memory_space<vmem>>) target_semaphore(%run_scoped3A_21 : memref<!tpu.dma_semaphore, #tpu.memory_space<semaphore_mem>>)
      %dma_wait3A_26 = tpu.memref_slice %arg5[%run_scoped3A_7, %mul3A_2] : memref<8x1024xi32, #tpu.memory_space<hbm>> -> memref<1x32xi32, #tpu.memory_space<hbm>>
      %dma_wait3A_27 = tpu.memref_squeeze %dma_wait3A_26 : memref<1x32xi32, #tpu.memory_space<hbm>> -> memref<32xi32, #tpu.memory_space<hbm>>
      %dma_wait3A_28 = tpu.memref_slice %arg5[%run_scoped3A_7, %mul3A_2] : memref<8x1024xi32, #tpu.memory_space<hbm>> -> memref<1x32xi32, #tpu.memory_space<hbm>>
      %dma_wait3A_29 = tpu.memref_squeeze %dma_wait3A_28 : memref<1x32xi32, #tpu.memory_space<hbm>> -> memref<32xi32, #tpu.memory_space<hbm>>
      tpu.wait_dma2 semaphore(%run_scoped3A_21 : memref<!tpu.dma_semaphore, #tpu.memory_space<semaphore_mem>>) src(%dma_wait3A_29 : memref<32xi32, #tpu.memory_space<hbm>>) dst(%arg9 : memref<32xi32, #tpu.memory_space<vmem>>)
      tpu.yield
    }) : () -> ()
    %dma_start3A_8 = arith.constant 0 : i32
    %dma_start3A_9 = arith.constant 0 : i32
    %dma_start3A_10 = tpu.memref_slice %arg3[%dma_start3A_8, %dma_start3A_9] : memref<16384x256xf32, #tpu.memory_space<hbm>> -> memref<16384x256xf32, #tpu.memory_space<hbm>>
    tpu.enqueue_indirect_dma source(%dma_start3A_10 : memref<16384x256xf32, #tpu.memory_space<hbm>>) target(%arg11 : memref<32x256xf32, #tpu.memory_space<vmem>>) offsets(%arg9 : memref<32xi32, #tpu.memory_space<vmem>>) semaphore(%arg13 : memref<!tpu.dma_semaphore, #tpu.memory_space<semaphore_mem>>)
    %dma_wait3A_11 = arith.constant 0 : i32
    %dma_wait3A_12 = arith.constant 0 : i32
    %dma_wait3A_13 = tpu.memref_slice %arg3[%dma_wait3A_11, %dma_wait3A_12] : memref<16384x256xf32, #tpu.memory_space<hbm>> -> memref<16384x256xf32, #tpu.memory_space<hbm>>
    tpu.wait_indirect_dma semaphore(%arg13 : memref<!tpu.dma_semaphore, #tpu.memory_space<semaphore_mem>>) src(%dma_wait3A_13 : memref<16384x256xf32, #tpu.memory_space<hbm>>) dst(%arg11 : memref<32x256xf32, #tpu.memory_space<vmem>>)
    "tpu.region"() ({
      %run_scoped3A_21 = tpu.sem_alloc : memref<!tpu.dma_semaphore, #tpu.memory_space<semaphore_mem>>
      %dma_start3A_22 = arith.constant 0 : i32
      %dma_start3A_23 = tpu.memref_slice %arg7[%mul3A_2, %dma_start3A_22] : memref<1024x256xf32, #tpu.memory_space<hbm>> -> memref<32x256xf32, #tpu.memory_space<hbm>>
      %dma_start3A_24 = arith.constant 0 : i32
      %dma_start3A_25 = tpu.memref_slice %arg7[%mul3A_2, %dma_start3A_24] : memref<1024x256xf32, #tpu.memory_space<hbm>> -> memref<32x256xf32, #tpu.memory_space<hbm>>
      tpu.enqueue_dma source(%arg11 : memref<32x256xf32, #tpu.memory_space<vmem>>) target(%dma_start3A_25 : memref<32x256xf32, #tpu.memory_space<hbm>>) target_semaphore(%run_scoped3A_21 : memref<!tpu.dma_semaphore, #tpu.memory_space<semaphore_mem>>)
      %dma_wait3A_26 = arith.constant 0 : i32
      %dma_wait3A_27 = tpu.memref_slice %arg7[%mul3A_2, %dma_wait3A_26] : memref<1024x256xf32, #tpu.memory_space<hbm>> -> memref<32x256xf32, #tpu.memory_space<hbm>>
      %dma_wait3A_28 = arith.constant 0 : i32
      %dma_wait3A_29 = tpu.memref_slice %arg7[%mul3A_2, %dma_wait3A_28] : memref<1024x256xf32, #tpu.memory_space<hbm>> -> memref<32x256xf32, #tpu.memory_space<hbm>>
      tpu.wait_dma2 semaphore(%run_scoped3A_21 : memref<!tpu.dma_semaphore, #tpu.memory_space<semaphore_mem>>) src(%arg11 : memref<32x256xf32, #tpu.memory_space<vmem>>) dst(%dma_wait3A_29 : memref<32x256xf32, #tpu.memory_space<hbm>>)
      tpu.yield
    }) : () -> ()
    %run_scoped3A_14 = arith.constant 2 : i32
    "tpu.region"() ({
      %run_scoped3A_21 = tpu.sem_alloc : memref<!tpu.dma_semaphore, #tpu.memory_space<semaphore_mem>>
      %dma_start3A_22 = tpu.memref_slice %arg5[%run_scoped3A_14, %mul3A_2] : memref<8x1024xi32, #tpu.memory_space<hbm>> -> memref<1x32xi32, #tpu.memory_space<hbm>>
      %dma_start3A_23 = tpu.memref_squeeze %dma_start3A_22 : memref<1x32xi32, #tpu.memory_space<hbm>> -> memref<32xi32, #tpu.memory_space<hbm>>
      %dma_start3A_24 = tpu.memref_slice %arg5[%run_scoped3A_14, %mul3A_2] : memref<8x1024xi32, #tpu.memory_space<hbm>> -> memref<1x32xi32, #tpu.memory_space<hbm>>
      %dma_start3A_25 = tpu.memref_squeeze %dma_start3A_24 : memref<1x32xi32, #tpu.memory_space<hbm>> -> memref<32xi32, #tpu.memory_space<hbm>>
      tpu.enqueue_dma source(%dma_start3A_25 : memref<32xi32, #tpu.memory_space<hbm>>) target(%arg9 : memref<32xi32, #tpu.memory_space<vmem>>) target_semaphore(%run_scoped3A_21 : memref<!tpu.dma_semaphore, #tpu.memory_space<semaphore_mem>>)
      %dma_wait3A_26 = tpu.memref_slice %arg5[%run_scoped3A_14, %mul3A_2] : memref<8x1024xi32, #tpu.memory_space<hbm>> -> memref<1x32xi32, #tpu.memory_space<hbm>>
      %dma_wait3A_27 = tpu.memref_squeeze %dma_wait3A_26 : memref<1x32xi32, #tpu.memory_space<hbm>> -> memref<32xi32, #tpu.memory_space<hbm>>
      %dma_wait3A_28 = tpu.memref_slice %arg5[%run_scoped3A_14, %mul3A_2] : memref<8x1024xi32, #tpu.memory_space<hbm>> -> memref<1x32xi32, #tpu.memory_space<hbm>>
      %dma_wait3A_29 = tpu.memref_squeeze %dma_wait3A_28 : memref<1x32xi32, #tpu.memory_space<hbm>> -> memref<32xi32, #tpu.memory_space<hbm>>
      tpu.wait_dma2 semaphore(%run_scoped3A_21 : memref<!tpu.dma_semaphore, #tpu.memory_space<semaphore_mem>>) src(%dma_wait3A_29 : memref<32xi32, #tpu.memory_space<hbm>>) dst(%arg9 : memref<32xi32, #tpu.memory_space<vmem>>)
      tpu.yield
    }) : () -> ()
    %dma_start3A_15 = arith.constant 0 : i32
    %dma_start3A_16 = arith.constant 0 : i32
    %dma_start3A_17 = tpu.memref_slice %arg4[%dma_start3A_15, %dma_start3A_16] : memref<16384x256xf32, #tpu.memory_space<hbm>> -> memref<16384x256xf32, #tpu.memory_space<hbm>>
    tpu.enqueue_indirect_dma source(%dma_start3A_17 : memref<16384x256xf32, #tpu.memory_space<hbm>>) target(%arg12 : memref<32x256xf32, #tpu.memory_space<vmem>>) offsets(%arg9 : memref<32xi32, #tpu.memory_space<vmem>>) semaphore(%arg13 : memref<!tpu.dma_semaphore, #tpu.memory_space<semaphore_mem>>)
    %dma_wait3A_18 = arith.constant 0 : i32
    %dma_wait3A_19 = arith.constant 0 : i32
    %dma_wait3A_20 = tpu.memref_slice %arg4[%dma_wait3A_18, %dma_wait3A_19] : memref<16384x256xf32, #tpu.memory_space<hbm>> -> memref<16384x256xf32, #tpu.memory_space<hbm>>
    tpu.wait_indirect_dma semaphore(%arg13 : memref<!tpu.dma_semaphore, #tpu.memory_space<semaphore_mem>>) src(%dma_wait3A_20 : memref<16384x256xf32, #tpu.memory_space<hbm>>) dst(%arg12 : memref<32x256xf32, #tpu.memory_space<vmem>>)
    "tpu.region"() ({
      %run_scoped3A_21 = tpu.sem_alloc : memref<!tpu.dma_semaphore, #tpu.memory_space<semaphore_mem>>
      %dma_start3A_22 = arith.constant 0 : i32
      %dma_start3A_23 = tpu.memref_slice %arg8[%mul3A_2, %dma_start3A_22] : memref<1024x256xf32, #tpu.memory_space<hbm>> -> memref<32x256xf32, #tpu.memory_space<hbm>>
      %dma_start3A_24 = arith.constant 0 : i32
      %dma_start3A_25 = tpu.memref_slice %arg8[%mul3A_2, %dma_start3A_24] : memref<1024x256xf32, #tpu.memory_space<hbm>> -> memref<32x256xf32, #tpu.memory_space<hbm>>
      tpu.enqueue_dma source(%arg12 : memref<32x256xf32, #tpu.memory_space<vmem>>) target(%dma_start3A_25 : memref<32x256xf32, #tpu.memory_space<hbm>>) target_semaphore(%run_scoped3A_21 : memref<!tpu.dma_semaphore, #tpu.memory_space<semaphore_mem>>)
      %dma_wait3A_26 = arith.constant 0 : i32
      %dma_wait3A_27 = tpu.memref_slice %arg8[%mul3A_2, %dma_wait3A_26] : memref<1024x256xf32, #tpu.memory_space<hbm>> -> memref<32x256xf32, #tpu.memory_space<hbm>>
      %dma_wait3A_28 = arith.constant 0 : i32
      %dma_wait3A_29 = tpu.memref_slice %arg8[%mul3A_2, %dma_wait3A_28] : memref<1024x256xf32, #tpu.memory_space<hbm>> -> memref<32x256xf32, #tpu.memory_space<hbm>>
      tpu.wait_dma2 semaphore(%run_scoped3A_21 : memref<!tpu.dma_semaphore, #tpu.memory_space<semaphore_mem>>) src(%arg12 : memref<32x256xf32, #tpu.memory_space<vmem>>) dst(%dma_wait3A_29 : memref<32x256xf32, #tpu.memory_space<hbm>>)
      tpu.yield
    }) : () -> ()
    return
  }
}

module attributes {stable_mosaic.version = 14 : i64} {
  func.func @_final_body(%arg0: memref<1024x1024xf32, #tpu.memory_space<vmem>>, %arg1: memref<1024x512xf32, #tpu.memory_space<vmem>>, %arg2: memref<1024x256xf32, #tpu.memory_space<vmem>>, %arg3: memref<1024x256xf32, #tpu.memory_space<vmem>>, %arg4: memref<8x1024xi32, #tpu.memory_space<vmem>>, %arg5: memref<8x128xf32, #tpu.memory_space<vmem>>) attributes {dimension_semantics = [], scalar_prefetch = 0 : i64, scratch_operands = 0 : i64, tpu.core_type = #tpu.core_type<tc>} {
    %get3A = arith.constant 0 : index
    %get3A_0 = arith.constant 0 : index
    %get3A_1 = vector.load %arg1[%get3A, %get3A_0] : memref<1024x512xf32, #tpu.memory_space<vmem>>, vector<1024x512xf32>
    %get3A_2 = arith.constant 0 : index
    %get3A_3 = arith.constant 0 : index
    %get3A_4 = vector.load %arg4[%get3A_2, %get3A_3] : memref<8x1024xi32, #tpu.memory_space<vmem>>, vector<1x1024xi32>
    %get3A_5 = vector.shape_cast %get3A_4 : vector<1x1024xi32> to vector<1024xi32>
    %gt3A = arith.constant 1065353216 : i32
    %gt3A_6 = vector.broadcast %gt3A : i32 to vector<1024xi32>
    %gt3A_7 = arith.cmpi sgt, %get3A_5, %gt3A_6 : vector<1024xi32>
    %get3A_8 = arith.constant 0 : index
    %get3A_9 = arith.constant 0 : index
    %get3A_10 = vector.load %arg0[%get3A_8, %get3A_9] : memref<1024x1024xf32, #tpu.memory_space<vmem>>, vector<1024x512xf32>
    %mul3A = arith.mulf %get3A_10, %get3A_1 : vector<1024x512xf32>
    %reduce_sum3A = arith.constant dense<0.000000e+00> : vector<1024xf32>
    %reduce_sum3A_11 = vector.multi_reduction <add>, %mul3A, %reduce_sum3A [1] : vector<1024x512xf32> to vector<1024xf32>
    %mul3A_12 = arith.mulf %get3A_10, %get3A_10 : vector<1024x512xf32>
    %reduce_sum3A_13 = arith.constant dense<0.000000e+00> : vector<1024xf32>
    %reduce_sum3A_14 = vector.multi_reduction <add>, %mul3A_12, %reduce_sum3A_13 [1] : vector<1024x512xf32> to vector<1024xf32>
    %sqrt3A = math.sqrt %reduce_sum3A_14 : vector<1024xf32>
    %mul3A_15 = arith.mulf %get3A_1, %get3A_1 : vector<1024x512xf32>
    %reduce_sum3A_16 = arith.constant dense<0.000000e+00> : vector<1024xf32>
    %reduce_sum3A_17 = vector.multi_reduction <add>, %mul3A_15, %reduce_sum3A_16 [1] : vector<1024x512xf32> to vector<1024xf32>
    %sqrt3A_18 = math.sqrt %reduce_sum3A_17 : vector<1024xf32>
    %mul3A_19 = arith.mulf %sqrt3A, %sqrt3A_18 : vector<1024xf32>
    %max3A = arith.constant 9.99999993E-9 : f32
    %max3A_20 = vector.broadcast %max3A : f32 to vector<1024xf32>
    %max3A_21 = arith.maximumf %mul3A_19, %max3A_20 : vector<1024xf32>
    %div3A = arith.divf %reduce_sum3A_11, %max3A_21 : vector<1024xf32>
    %jit3A = arith.constant 0.000000e+00 : f32
    %broadcast_in_dim3A = vector.broadcast %jit3A : f32 to vector<1024xf32>
    %select_n3A = arith.select %gt3A_7, %div3A, %broadcast_in_dim3A : vector<1024xi1>, vector<1024xf32>
    %reduce_sum3A_22 = vector.shape_cast %select_n3A : vector<1024xf32> to vector<1x1024xf32>
    %reduce_sum3A_23 = arith.constant dense<0.000000e+00> : vector<1xf32>
    %reduce_sum3A_24 = vector.multi_reduction <add>, %reduce_sum3A_22, %reduce_sum3A_23 [1] : vector<1x1024xf32> to vector<1xf32>
    %reduce_sum3A_25 = vector.shape_cast %reduce_sum3A_24 : vector<1xf32> to vector<1x1xf32>
    %reduce_sum3A_26 = vector.extract %reduce_sum3A_25[0, 0] : f32 from vector<1x1xf32>
    %mul3A_27 = arith.constant 5.120000e+02 : f32
    %mul3A_28 = arith.mulf %mul3A_27, %reduce_sum3A_26 : f32
    %add3A = arith.constant 0.000000e+00 : f32
    %add3A_29 = arith.addf %add3A, %mul3A_28 : f32
    %get3A_30 = arith.constant 0 : index
    %get3A_31 = arith.constant 0 : index
    %get3A_32 = vector.load %arg2[%get3A_30, %get3A_31] : memref<1024x256xf32, #tpu.memory_space<vmem>>, vector<1024x256xf32>
    %get3A_33 = arith.constant 1 : index
    %get3A_34 = arith.constant 0 : index
    %get3A_35 = vector.load %arg4[%get3A_33, %get3A_34] : memref<8x1024xi32, #tpu.memory_space<vmem>>, vector<1x1024xi32>
    %get3A_36 = vector.shape_cast %get3A_35 : vector<1x1024xi32> to vector<1024xi32>
    %gt3A_37 = arith.constant 1065353216 : i32
    %gt3A_38 = vector.broadcast %gt3A_37 : i32 to vector<1024xi32>
    %gt3A_39 = arith.cmpi sgt, %get3A_36, %gt3A_38 : vector<1024xi32>
    %get3A_40 = arith.constant 0 : index
    %get3A_41 = arith.constant 512 : index
    %get3A_42 = vector.load %arg0[%get3A_40, %get3A_41] : memref<1024x1024xf32, #tpu.memory_space<vmem>>, vector<1024x256xf32>
    %mul3A_43 = arith.mulf %get3A_42, %get3A_32 : vector<1024x256xf32>
    %reduce_sum3A_44 = arith.constant dense<0.000000e+00> : vector<1024xf32>
    %reduce_sum3A_45 = vector.multi_reduction <add>, %mul3A_43, %reduce_sum3A_44 [1] : vector<1024x256xf32> to vector<1024xf32>
    %mul3A_46 = arith.mulf %get3A_42, %get3A_42 : vector<1024x256xf32>
    %reduce_sum3A_47 = arith.constant dense<0.000000e+00> : vector<1024xf32>
    %reduce_sum3A_48 = vector.multi_reduction <add>, %mul3A_46, %reduce_sum3A_47 [1] : vector<1024x256xf32> to vector<1024xf32>
    %sqrt3A_49 = math.sqrt %reduce_sum3A_48 : vector<1024xf32>
    %mul3A_50 = arith.mulf %get3A_32, %get3A_32 : vector<1024x256xf32>
    %reduce_sum3A_51 = arith.constant dense<0.000000e+00> : vector<1024xf32>
    %reduce_sum3A_52 = vector.multi_reduction <add>, %mul3A_50, %reduce_sum3A_51 [1] : vector<1024x256xf32> to vector<1024xf32>
    %sqrt3A_53 = math.sqrt %reduce_sum3A_52 : vector<1024xf32>
    %mul3A_54 = arith.mulf %sqrt3A_49, %sqrt3A_53 : vector<1024xf32>
    %max3A_55 = arith.constant 9.99999993E-9 : f32
    %max3A_56 = vector.broadcast %max3A_55 : f32 to vector<1024xf32>
    %max3A_57 = arith.maximumf %mul3A_54, %max3A_56 : vector<1024xf32>
    %div3A_58 = arith.divf %reduce_sum3A_45, %max3A_57 : vector<1024xf32>
    %jit3A_59 = arith.constant 0.000000e+00 : f32
    %broadcast_in_dim3A_60 = vector.broadcast %jit3A_59 : f32 to vector<1024xf32>
    %select_n3A_61 = arith.select %gt3A_39, %div3A_58, %broadcast_in_dim3A_60 : vector<1024xi1>, vector<1024xf32>
    %reduce_sum3A_62 = vector.shape_cast %select_n3A_61 : vector<1024xf32> to vector<1x1024xf32>
    %reduce_sum3A_63 = arith.constant dense<0.000000e+00> : vector<1xf32>
    %reduce_sum3A_64 = vector.multi_reduction <add>, %reduce_sum3A_62, %reduce_sum3A_63 [1] : vector<1x1024xf32> to vector<1xf32>
    %reduce_sum3A_65 = vector.shape_cast %reduce_sum3A_64 : vector<1xf32> to vector<1x1xf32>
    %reduce_sum3A_66 = vector.extract %reduce_sum3A_65[0, 0] : f32 from vector<1x1xf32>
    %mul3A_67 = arith.constant 2.560000e+02 : f32
    %mul3A_68 = arith.mulf %mul3A_67, %reduce_sum3A_66 : f32
    %add3A_69 = arith.addf %add3A_29, %mul3A_68 : f32
    %get3A_70 = arith.constant 0 : index
    %get3A_71 = arith.constant 0 : index
    %get3A_72 = vector.load %arg3[%get3A_70, %get3A_71] : memref<1024x256xf32, #tpu.memory_space<vmem>>, vector<1024x256xf32>
    %get3A_73 = arith.constant 2 : index
    %get3A_74 = arith.constant 0 : index
    %get3A_75 = vector.load %arg4[%get3A_73, %get3A_74] : memref<8x1024xi32, #tpu.memory_space<vmem>>, vector<1x1024xi32>
    %get3A_76 = vector.shape_cast %get3A_75 : vector<1x1024xi32> to vector<1024xi32>
    %gt3A_77 = arith.constant 1065353216 : i32
    %gt3A_78 = vector.broadcast %gt3A_77 : i32 to vector<1024xi32>
    %gt3A_79 = arith.cmpi sgt, %get3A_76, %gt3A_78 : vector<1024xi32>
    %get3A_80 = arith.constant 0 : index
    %get3A_81 = arith.constant 768 : index
    %get3A_82 = vector.load %arg0[%get3A_80, %get3A_81] : memref<1024x1024xf32, #tpu.memory_space<vmem>>, vector<1024x256xf32>
    %mul3A_83 = arith.mulf %get3A_82, %get3A_72 : vector<1024x256xf32>
    %reduce_sum3A_84 = arith.constant dense<0.000000e+00> : vector<1024xf32>
    %reduce_sum3A_85 = vector.multi_reduction <add>, %mul3A_83, %reduce_sum3A_84 [1] : vector<1024x256xf32> to vector<1024xf32>
    %mul3A_86 = arith.mulf %get3A_82, %get3A_82 : vector<1024x256xf32>
    %reduce_sum3A_87 = arith.constant dense<0.000000e+00> : vector<1024xf32>
    %reduce_sum3A_88 = vector.multi_reduction <add>, %mul3A_86, %reduce_sum3A_87 [1] : vector<1024x256xf32> to vector<1024xf32>
    %sqrt3A_89 = math.sqrt %reduce_sum3A_88 : vector<1024xf32>
    %mul3A_90 = arith.mulf %get3A_72, %get3A_72 : vector<1024x256xf32>
    %reduce_sum3A_91 = arith.constant dense<0.000000e+00> : vector<1024xf32>
    %reduce_sum3A_92 = vector.multi_reduction <add>, %mul3A_90, %reduce_sum3A_91 [1] : vector<1024x256xf32> to vector<1024xf32>
    %sqrt3A_93 = math.sqrt %reduce_sum3A_92 : vector<1024xf32>
    %mul3A_94 = arith.mulf %sqrt3A_89, %sqrt3A_93 : vector<1024xf32>
    %max3A_95 = arith.constant 9.99999993E-9 : f32
    %max3A_96 = vector.broadcast %max3A_95 : f32 to vector<1024xf32>
    %max3A_97 = arith.maximumf %mul3A_94, %max3A_96 : vector<1024xf32>
    %div3A_98 = arith.divf %reduce_sum3A_85, %max3A_97 : vector<1024xf32>
    %jit3A_99 = arith.constant 0.000000e+00 : f32
    %broadcast_in_dim3A_100 = vector.broadcast %jit3A_99 : f32 to vector<1024xf32>
    %select_n3A_101 = arith.select %gt3A_79, %div3A_98, %broadcast_in_dim3A_100 : vector<1024xi1>, vector<1024xf32>
    %reduce_sum3A_102 = vector.shape_cast %select_n3A_101 : vector<1024xf32> to vector<1x1024xf32>
    %reduce_sum3A_103 = arith.constant dense<0.000000e+00> : vector<1xf32>
    %reduce_sum3A_104 = vector.multi_reduction <add>, %reduce_sum3A_102, %reduce_sum3A_103 [1] : vector<1x1024xf32> to vector<1xf32>
    %reduce_sum3A_105 = vector.shape_cast %reduce_sum3A_104 : vector<1xf32> to vector<1x1xf32>
    %reduce_sum3A_106 = vector.extract %reduce_sum3A_105[0, 0] : f32 from vector<1x1xf32>
    %mul3A_107 = arith.constant 2.560000e+02 : f32
    %mul3A_108 = arith.mulf %mul3A_107, %reduce_sum3A_106 : f32
    %add3A_109 = arith.addf %add3A_69, %mul3A_108 : f32
    %neg3A = arith.constant 0.000000e+00 : f32
    %neg3A_110 = arith.subf %neg3A, %add3A_109 : f32
    %div3A_111 = arith.constant 0x49800000 : f32
    %div3A_112 = arith.divf %neg3A_110, %div3A_111 : f32
    %broadcast_in_dim3A_113 = vector.broadcast %div3A_112 : f32 to vector<8x128xf32>
    %swap3A = arith.constant 0 : index
    %swap3A_114 = arith.constant 0 : index
    %swap3A_115 = vector.load %arg5[%swap3A, %swap3A_114] : memref<8x128xf32, #tpu.memory_space<vmem>>, vector<8x128xf32>
    tpu.vector_store %arg5[%swap3A, %swap3A_114], %broadcast_in_dim3A_113 {strides = array<i32>} : memref<8x128xf32, #tpu.memory_space<vmem>>, vector<8x128xf32>,
    return
  }
}

module attributes {stable_mosaic.version = 14 : i64} {
  func.func @_search_body(%arg0: i32, %arg1: i32, %arg2: memref<1024x1024xf32, #tpu.memory_space<vmem>>, %arg3: memref<1x1024x1024xf32, #tpu.memory_space<vmem>>, %arg4: memref<1024x1024xf32, #tpu.memory_space<vmem>>, %arg5: memref<8x1024xi32, #tpu.memory_space<vmem>>, %arg6: memref<8x1024xi32, #tpu.memory_space<vmem>>, %arg7: memref<1024x1024xf32, #tpu.memory_space<vmem>>, %arg8: memref<1024x512xf32, #tpu.memory_space<vmem>>, %arg9: memref<1024x256xf32, #tpu.memory_space<vmem>>, %arg10: memref<1024x256xf32, #tpu.memory_space<vmem>>, %arg11: memref<1024x1024xbf16, #tpu.memory_space<vmem>>, %arg12: memref<1024x1024xbf16, #tpu.memory_space<vmem>>) attributes {dimension_semantics = [#tpu.dimension_semantics<arbitrary>, #tpu.dimension_semantics<arbitrary>], iteration_bounds = array<i64: 4, 4>, scalar_prefetch = 0 : i64, scratch_operands = 2 : i64, tpu.core_type = #tpu.core_type<tc>, window_params = [{pipeline_mode = #tpu.pipeline_mode<synchronous>, transform_indices = @transform_0, window_bounds = array<i64: 1024, 1024>}, {transform_indices = @transform_1, window_bounds = array<i64: 1, 1024, 1024>}, {pipeline_mode = #tpu.pipeline_mode<synchronous>, transform_indices = @transform_2, window_bounds = array<i64: 1024, 1024>}, {pipeline_mode = #tpu.pipeline_mode<synchronous>, transform_indices = @transform_3, window_bounds = array<i64: 8, 1024>}, {pipeline_mode = #tpu.pipeline_mode<synchronous>, transform_indices = @transform_4, window_bounds = array<i64: 8, 1024>}, {pipeline_mode = #tpu.pipeline_mode<synchronous>, transform_indices = @transform_5, window_bounds = array<i64: 1024, 1024>}, {transform_indices = @transform_6, window_bounds = array<i64: 1024, 512>}, {transform_indices = @transform_7, window_bounds = array<i64: 1024, 256>}, {transform_indices = @transform_8, window_bounds = array<i64: 1024, 256>}]} {
    %mul3A = arith.constant 4 : i32
    %mul3A_0 = arith.muli %arg0, %mul3A : i32
    %add3A = arith.addi %mul3A_0, %arg1 : i32
    %eq3A = arith.constant 0 : i32
    %eq3A_1 = arith.cmpi eq, %add3A, %eq3A : i32
    %convert_element_type3A = arith.extui %eq3A_1 : i1 to i32
    %cond3A = arith.constant 0 : i32
    %cond3A_2 = arith.cmpi ne, %convert_element_type3A, %cond3A : i32
    scf.if %cond3A_2 {
      %get3A_210 = arith.constant 0 : index
      %get3A_211 = arith.constant 0 : index
      %get3A_212 = vector.load %arg4[%get3A_210, %get3A_211] : memref<1024x1024xf32, #tpu.memory_space<vmem>>, vector<1024x1024xf32>
      %convert_element_type3A_213 = arith.truncf %get3A_212 : vector<1024x1024xf32> to vector<1024x1024xbf16>
      %swap3A_214 = arith.constant 0 : index
      %swap3A_215 = arith.constant 0 : index
      %swap3A_216 = vector.load %arg12[%swap3A_214, %swap3A_215] : memref<1024x1024xbf16, #tpu.memory_space<vmem>>, vector<1024x1024xbf16>
      tpu.vector_store %arg12[%swap3A_214, %swap3A_215], %convert_element_type3A_213 {strides = array<i32>} : memref<1024x1024xbf16, #tpu.memory_space<vmem>>, vector<1024x1024xbf16>,
      %get3A_217 = arith.constant 0 : index
      %get3A_218 = arith.constant 0 : index
      %get3A_219 = vector.load %arg2[%get3A_217, %get3A_218] : memref<1024x1024xf32, #tpu.memory_space<vmem>>, vector<1024x1024xf32>
      %convert_element_type3A_220 = arith.truncf %get3A_219 : vector<1024x1024xf32> to vector<1024x1024xbf16>
      %dot_general3A_221 = arith.constant dense<0.000000e+00> : vector<1024x1024xf32>
      %dot_general3A_222 = tpu.matmul %convert_element_type3A_220, %convert_element_type3A_213, %dot_general3A_221 {dimension_numbers = #tpu.dot_dimension_numbers<[1], [0], [0], [1], [0, 0, 1, 1], [], []>, transpose_lhs_hint = false} : vector<1024x1024xbf16>, vector<1024x1024xbf16>, vector<1024x1024xf32> -> vector<1024x1024xf32>
      %swap3A_223 = arith.constant 0 : index
      %swap3A_224 = arith.constant 0 : index
      %swap3A_225 = vector.load %arg7[%swap3A_223, %swap3A_224] : memref<1024x1024xf32, #tpu.memory_space<vmem>>, vector<1024x1024xf32>
      tpu.vector_store %arg7[%swap3A_223, %swap3A_224], %dot_general3A_222 {strides = array<i32>} : memref<1024x1024xf32, #tpu.memory_space<vmem>>, vector<1024x1024xf32>,
      %slice3A_226 = vector.extract_strided_slice %dot_general3A_222 {offsets = [0, 0], sizes = [1024, 512], strides = [1, 1]} : vector<1024x1024xf32> to vector<1024x512xf32>
      %mul3A_227 = arith.mulf %slice3A_226, %slice3A_226 : vector<1024x512xf32>
      %reduce_sum3A_228 = arith.constant dense<0.000000e+00> : vector<1024xf32>
      %reduce_sum3A_229 = vector.multi_reduction <add>, %mul3A_227, %reduce_sum3A_228 [1] : vector<1024x512xf32> to vector<1024xf32>
      %broadcast_in_dim3A_230 = vector.shape_cast %reduce_sum3A_229 : vector<1024xf32> to vector<1024x1xf32>
      %sqrt3A_231 = math.sqrt %broadcast_in_dim3A_230 : vector<1024x1xf32>
      %max3A_232 = arith.constant 9.99999993E-9 : f32
      %max3A_233 = vector.broadcast %max3A_232 : f32 to vector<1024x1xf32>
      %max3A_234 = arith.maximumf %sqrt3A_231, %max3A_233 : vector<1024x1xf32>
      %div3A_235 = vector.broadcast %max3A_234 : vector<1024x1xf32> to vector<1024x512xf32>
      %div3A_236 = arith.divf %slice3A_226, %div3A_235 : vector<1024x512xf32>
      %transpose3A = tpu.transpose %div3A_236, [1, 0] : vector<1024x512xf32> -> vector<512x1024xf32>
      %convert_element_type3A_237 = arith.truncf %transpose3A : vector<512x1024xf32> to vector<512x1024xbf16>
      %swap3A_238 = arith.constant 0 : index
      %swap3A_239 = arith.constant 0 : index
      %swap3A_240 = vector.load %arg11[%swap3A_238, %swap3A_239] : memref<1024x1024xbf16, #tpu.memory_space<vmem>>, vector<512x1024xbf16>
      tpu.vector_store %arg11[%swap3A_238, %swap3A_239], %convert_element_type3A_237 {strides = array<i32>} : memref<1024x1024xbf16, #tpu.memory_space<vmem>>, vector<512x1024xbf16>,
      %slice3A_241 = vector.extract_strided_slice %dot_general3A_222 {offsets = [0, 512], sizes = [1024, 256], strides = [1, 1]} : vector<1024x1024xf32> to vector<1024x256xf32>
      %mul3A_242 = arith.mulf %slice3A_241, %slice3A_241 : vector<1024x256xf32>
      %reduce_sum3A_243 = arith.constant dense<0.000000e+00> : vector<1024xf32>
      %reduce_sum3A_244 = vector.multi_reduction <add>, %mul3A_242, %reduce_sum3A_243 [1] : vector<1024x256xf32> to vector<1024xf32>
      %broadcast_in_dim3A_245 = vector.shape_cast %reduce_sum3A_244 : vector<1024xf32> to vector<1024x1xf32>
      %sqrt3A_246 = math.sqrt %broadcast_in_dim3A_245 : vector<1024x1xf32>
      %max3A_247 = arith.constant 9.99999993E-9 : f32
      %max3A_248 = vector.broadcast %max3A_247 : f32 to vector<1024x1xf32>
      %max3A_249 = arith.maximumf %sqrt3A_246, %max3A_248 : vector<1024x1xf32>
      %div3A_250 = vector.broadcast %max3A_249 : vector<1024x1xf32> to vector<1024x256xf32>
      %div3A_251 = arith.divf %slice3A_241, %div3A_250 : vector<1024x256xf32>
      %transpose3A_252 = tpu.transpose %div3A_251, [1, 0] : vector<1024x256xf32> -> vector<256x1024xf32>
      %convert_element_type3A_253 = arith.truncf %transpose3A_252 : vector<256x1024xf32> to vector<256x1024xbf16>
      %swap3A_254 = arith.constant 512 : index
      %swap3A_255 = arith.constant 0 : index
      %swap3A_256 = vector.load %arg11[%swap3A_254, %swap3A_255] : memref<1024x1024xbf16, #tpu.memory_space<vmem>>, vector<256x1024xbf16>
      tpu.vector_store %arg11[%swap3A_254, %swap3A_255], %convert_element_type3A_253 {strides = array<i32>} : memref<1024x1024xbf16, #tpu.memory_space<vmem>>, vector<256x1024xbf16>,
      %slice3A_257 = vector.extract_strided_slice %dot_general3A_222 {offsets = [0, 768], sizes = [1024, 256], strides = [1, 1]} : vector<1024x1024xf32> to vector<1024x256xf32>
      %mul3A_258 = arith.mulf %slice3A_257, %slice3A_257 : vector<1024x256xf32>
      %reduce_sum3A_259 = arith.constant dense<0.000000e+00> : vector<1024xf32>
      %reduce_sum3A_260 = vector.multi_reduction <add>, %mul3A_258, %reduce_sum3A_259 [1] : vector<1024x256xf32> to vector<1024xf32>
      %broadcast_in_dim3A_261 = vector.shape_cast %reduce_sum3A_260 : vector<1024xf32> to vector<1024x1xf32>
      %sqrt3A_262 = math.sqrt %broadcast_in_dim3A_261 : vector<1024x1xf32>
      %max3A_263 = arith.constant 9.99999993E-9 : f32
      %max3A_264 = vector.broadcast %max3A_263 : f32 to vector<1024x1xf32>
      %max3A_265 = arith.maximumf %sqrt3A_262, %max3A_264 : vector<1024x1xf32>
      %div3A_266 = vector.broadcast %max3A_265 : vector<1024x1xf32> to vector<1024x256xf32>
      %div3A_267 = arith.divf %slice3A_257, %div3A_266 : vector<1024x256xf32>
      %transpose3A_268 = tpu.transpose %div3A_267, [1, 0] : vector<1024x256xf32> -> vector<256x1024xf32>
      %convert_element_type3A_269 = arith.truncf %transpose3A_268 : vector<256x1024xf32> to vector<256x1024xbf16>
      %swap3A_270 = arith.constant 768 : index
      %swap3A_271 = arith.constant 0 : index
      %swap3A_272 = vector.load %arg11[%swap3A_270, %swap3A_271] : memref<1024x1024xbf16, #tpu.memory_space<vmem>>, vector<256x1024xbf16>
      tpu.vector_store %arg11[%swap3A_270, %swap3A_271], %convert_element_type3A_269 {strides = array<i32>} : memref<1024x1024xbf16, #tpu.memory_space<vmem>>, vector<256x1024xbf16>,
      %broadcast_in_dim3A_273 = arith.constant 1065353216 : i32
      %broadcast_in_dim3A_274 = vector.broadcast %broadcast_in_dim3A_273 : i32 to vector<8x1024xi32>
      %swap3A_275 = arith.constant 0 : index
      %swap3A_276 = arith.constant 0 : index
      %swap3A_277 = vector.load %arg5[%swap3A_275, %swap3A_276] : memref<8x1024xi32, #tpu.memory_space<vmem>>, vector<8x1024xi32>
      tpu.vector_store %arg5[%swap3A_275, %swap3A_276], %broadcast_in_dim3A_274 {strides = array<i32>} : memref<8x1024xi32, #tpu.memory_space<vmem>>, vector<8x1024xi32>,
      %broadcast_in_dim3A_278 = arith.constant 0 : i32
      %broadcast_in_dim3A_279 = vector.broadcast %broadcast_in_dim3A_278 : i32 to vector<8x1024xi32>
      %swap3A_280 = arith.constant 0 : index
      %swap3A_281 = arith.constant 0 : index
      %swap3A_282 = vector.load %arg6[%swap3A_280, %swap3A_281] : memref<8x1024xi32, #tpu.memory_space<vmem>>, vector<8x1024xi32>
      tpu.vector_store %arg6[%swap3A_280, %swap3A_281], %broadcast_in_dim3A_279 {strides = array<i32>} : memref<8x1024xi32, #tpu.memory_space<vmem>>, vector<8x1024xi32>,
    } else {
    }
    %get3A = arith.constant 0 : index
    %get3A_3 = arith.constant 0 : index
    %get3A_4 = arith.constant 0 : index
    %get3A_5 = vector.load %arg3[%get3A, %get3A_3, %get3A_4] : memref<1x1024x1024xf32, #tpu.memory_space<vmem>>, vector<1x1024x1024xf32>
    %get3A_6 = vector.shape_cast %get3A_5 : vector<1x1024x1024xf32> to vector<1024x1024xf32>
    %convert_element_type3A_7 = arith.truncf %get3A_6 : vector<1024x1024xf32> to vector<1024x1024xbf16>
    %get3A_8 = arith.constant 0 : index
    %get3A_9 = arith.constant 0 : index
    %get3A_10 = vector.load %arg12[%get3A_8, %get3A_9] : memref<1024x1024xbf16, #tpu.memory_space<vmem>>, vector<1024x1024xbf16>
    %dot_general3A = arith.constant dense<0.000000e+00> : vector<1024x1024xf32>
    %dot_general3A_11 = tpu.matmul %convert_element_type3A_7, %get3A_10, %dot_general3A {dimension_numbers = #tpu.dot_dimension_numbers<[1], [0], [0], [1], [0, 0, 1, 1], [], []>, transpose_lhs_hint = false} : vector<1024x1024xbf16>, vector<1024x1024xbf16>, vector<1024x1024xf32> -> vector<1024x1024xf32>
    %mul3A_12 = arith.constant 1024 : i32
    %mul3A_13 = arith.muli %add3A, %mul3A_12 : i32
    %iota3A = tpu.iota {dimensions = array<i32: 0>} : vector<1024x1024xi32>
    %sub3A = arith.constant 1023 : i32
    %sub3A_14 = vector.broadcast %sub3A : i32 to vector<1024x1024xi32>
    %sub3A_15 = arith.subi %sub3A_14, %iota3A : vector<1024x1024xi32>
    %slice3A = vector.extract_strided_slice %dot_general3A_11 {offsets = [0, 0], sizes = [1024, 512], strides = [1, 1]} : vector<1024x1024xf32> to vector<1024x512xf32>
    %swap3A = arith.constant 0 : index
    %swap3A_16 = arith.constant 0 : index
    %swap3A_17 = vector.load %arg8[%swap3A, %swap3A_16] : memref<1024x512xf32, #tpu.memory_space<vmem>>, vector<1024x512xf32>
    tpu.vector_store %arg8[%swap3A, %swap3A_16], %slice3A {strides = array<i32>} : memref<1024x512xf32, #tpu.memory_space<vmem>>, vector<1024x512xf32>,
    %mul3A_18 = arith.mulf %slice3A, %slice3A : vector<1024x512xf32>
    %reduce_sum3A = arith.constant dense<0.000000e+00> : vector<1024xf32>
    %reduce_sum3A_19 = vector.multi_reduction <add>, %mul3A_18, %reduce_sum3A [1] : vector<1024x512xf32> to vector<1024xf32>
    %broadcast_in_dim3A = vector.shape_cast %reduce_sum3A_19 : vector<1024xf32> to vector<1024x1xf32>
    %sqrt3A = math.sqrt %broadcast_in_dim3A : vector<1024x1xf32>
    %max3A = arith.constant 1.000000e-03 : f32
    %max3A_20 = vector.broadcast %max3A : f32 to vector<1024x1xf32>
    %max3A_21 = arith.maximumf %sqrt3A, %max3A_20 : vector<1024x1xf32>
    %div3A = arith.constant 1.000000e+00 : f32
    %div3A_22 = vector.broadcast %div3A : f32 to vector<1024x1xf32>
    %div3A_23 = arith.divf %div3A_22, %max3A_21 : vector<1024x1xf32>
    %mul3A_24 = vector.broadcast %div3A_23 : vector<1024x1xf32> to vector<1024x512xf32>
    %mul3A_25 = arith.mulf %slice3A, %mul3A_24 : vector<1024x512xf32>
    %convert_element_type3A_26 = arith.truncf %mul3A_25 : vector<1024x512xf32> to vector<1024x512xbf16>
    %get3A_27 = arith.constant 0 : index
    %get3A_28 = arith.constant 0 : index
    %get3A_29 = vector.load %arg11[%get3A_27, %get3A_28] : memref<1024x1024xbf16, #tpu.memory_space<vmem>>, vector<512x1024xbf16>
    %dot_general3A_30 = arith.constant dense<0.000000e+00> : vector<1024x1024xf32>
    %dot_general3A_31 = tpu.matmul %convert_element_type3A_26, %get3A_29, %dot_general3A_30 {dimension_numbers = #tpu.dot_dimension_numbers<[1], [0], [0], [1], [0, 0, 1, 1], [], []>, transpose_lhs_hint = false} : vector<1024x512xbf16>, vector<512x1024xbf16>, vector<1024x1024xf32> -> vector<1024x1024xf32>
    %add3A_32 = arith.constant 2.000000e+00 : f32
    %add3A_33 = vector.broadcast %add3A_32 : f32 to vector<1024x1024xf32>
    %add3A_34 = arith.addf %dot_general3A_31, %add3A_33 : vector<1024x1024xf32>
    %bitcast_convert_type3A = tpu.bitcast %add3A_34 : vector<1024x1024xf32> -> vector<1024x1024xi32>
    %and3A = arith.constant -1024 : i32
    %and3A_35 = vector.broadcast %and3A : i32 to vector<1024x1024xi32>
    %and3A_36 = arith.andi %bitcast_convert_type3A, %and3A_35 : vector<1024x1024xi32>
    %or3A = arith.ori %and3A_36, %sub3A_15 : vector<1024x1024xi32>
    %reduce_max3A = arith.constant dense<-2147483648> : vector<1024xi32>
    %reduce_max3A_37 = vector.multi_reduction <maxsi>, %or3A, %reduce_max3A [0] : vector<1024x1024xi32> to vector<1024xi32>
    %and3A_38 = arith.constant -1024 : i32
    %and3A_39 = vector.broadcast %and3A_38 : i32 to vector<1024xi32>
    %and3A_40 = arith.andi %reduce_max3A_37, %and3A_39 : vector<1024xi32>
    %and3A_41 = arith.constant 1023 : i32
    %and3A_42 = vector.broadcast %and3A_41 : i32 to vector<1024xi32>
    %and3A_43 = arith.andi %reduce_max3A_37, %and3A_42 : vector<1024xi32>
    %sub3A_44 = arith.constant 1023 : i32
    %sub3A_45 = vector.broadcast %sub3A_44 : i32 to vector<1024xi32>
    %sub3A_46 = arith.subi %sub3A_45, %and3A_43 : vector<1024xi32>
    %add3A_47 = vector.broadcast %mul3A_13 : i32 to vector<1024xi32>
    %add3A_48 = arith.addi %add3A_47, %sub3A_46 : vector<1024xi32>
    %get3A_49 = arith.constant 0 : index
    %get3A_50 = arith.constant 0 : index
    %get3A_51 = vector.load %arg5[%get3A_49, %get3A_50] : memref<8x1024xi32, #tpu.memory_space<vmem>>, vector<1x1024xi32>
    %get3A_52 = vector.shape_cast %get3A_51 : vector<1x1024xi32> to vector<1024xi32>
    %gt3A = arith.cmpi sgt, %and3A_40, %get3A_52 : vector<1024xi32>
    %get3A_53 = arith.constant 0 : index
    %get3A_54 = arith.constant 0 : index
    %get3A_55 = vector.load %arg5[%get3A_53, %get3A_54] : memref<8x1024xi32, #tpu.memory_space<vmem>>, vector<1x1024xi32>
    %get3A_56 = vector.shape_cast %get3A_55 : vector<1x1024xi32> to vector<1024xi32>
    %select_n3A = arith.select %gt3A, %and3A_40, %get3A_56 : vector<1024xi1>, vector<1024xi32>
    %swap3A_57 = arith.constant 0 : index
    %swap3A_58 = arith.constant 0 : index
    %swap3A_59 = vector.load %arg5[%swap3A_57, %swap3A_58] : memref<8x1024xi32, #tpu.memory_space<vmem>>, vector<1x1024xi32>
    %swap3A_60 = vector.shape_cast %swap3A_59 : vector<1x1024xi32> to vector<1024xi32>
    %swap3A_61 = vector.shape_cast %select_n3A : vector<1024xi32> to vector<1x1024xi32>
    tpu.vector_store %arg5[%swap3A_57, %swap3A_58], %swap3A_61 {strides = array<i32>} : memref<8x1024xi32, #tpu.memory_space<vmem>>, vector<1x1024xi32>,
    %get3A_62 = arith.constant 0 : index
    %get3A_63 = arith.constant 0 : index
    %get3A_64 = vector.load %arg6[%get3A_62, %get3A_63] : memref<8x1024xi32, #tpu.memory_space<vmem>>, vector<1x1024xi32>
    %get3A_65 = vector.shape_cast %get3A_64 : vector<1x1024xi32> to vector<1024xi32>
    %select_n3A_66 = arith.select %gt3A, %add3A_48, %get3A_65 : vector<1024xi1>, vector<1024xi32>
    %swap3A_67 = arith.constant 0 : index
    %swap3A_68 = arith.constant 0 : index
    %swap3A_69 = vector.load %arg6[%swap3A_67, %swap3A_68] : memref<8x1024xi32, #tpu.memory_space<vmem>>, vector<1x1024xi32>
    %swap3A_70 = vector.shape_cast %swap3A_69 : vector<1x1024xi32> to vector<1024xi32>
    %swap3A_71 = vector.shape_cast %select_n3A_66 : vector<1024xi32> to vector<1x1024xi32>
    tpu.vector_store %arg6[%swap3A_67, %swap3A_68], %swap3A_71 {strides = array<i32>} : memref<8x1024xi32, #tpu.memory_space<vmem>>, vector<1x1024xi32>,
    %slice3A_72 = vector.extract_strided_slice %dot_general3A_11 {offsets = [0, 512], sizes = [1024, 256], strides = [1, 1]} : vector<1024x1024xf32> to vector<1024x256xf32>
    %swap3A_73 = arith.constant 0 : index
    %swap3A_74 = arith.constant 0 : index
    %swap3A_75 = vector.load %arg9[%swap3A_73, %swap3A_74] : memref<1024x256xf32, #tpu.memory_space<vmem>>, vector<1024x256xf32>
    tpu.vector_store %arg9[%swap3A_73, %swap3A_74], %slice3A_72 {strides = array<i32>} : memref<1024x256xf32, #tpu.memory_space<vmem>>, vector<1024x256xf32>,
    %mul3A_76 = arith.mulf %slice3A_72, %slice3A_72 : vector<1024x256xf32>
    %reduce_sum3A_77 = arith.constant dense<0.000000e+00> : vector<1024xf32>
    %reduce_sum3A_78 = vector.multi_reduction <add>, %mul3A_76, %reduce_sum3A_77 [1] : vector<1024x256xf32> to vector<1024xf32>
    %broadcast_in_dim3A_79 = vector.shape_cast %reduce_sum3A_78 : vector<1024xf32> to vector<1024x1xf32>
    %sqrt3A_80 = math.sqrt %broadcast_in_dim3A_79 : vector<1024x1xf32>
    %max3A_81 = arith.constant 1.000000e-03 : f32
    %max3A_82 = vector.broadcast %max3A_81 : f32 to vector<1024x1xf32>
    %max3A_83 = arith.maximumf %sqrt3A_80, %max3A_82 : vector<1024x1xf32>
    %div3A_84 = arith.constant 1.000000e+00 : f32
    %div3A_85 = vector.broadcast %div3A_84 : f32 to vector<1024x1xf32>
    %div3A_86 = arith.divf %div3A_85, %max3A_83 : vector<1024x1xf32>
    %mul3A_87 = vector.broadcast %div3A_86 : vector<1024x1xf32> to vector<1024x256xf32>
    %mul3A_88 = arith.mulf %slice3A_72, %mul3A_87 : vector<1024x256xf32>
    %convert_element_type3A_89 = arith.truncf %mul3A_88 : vector<1024x256xf32> to vector<1024x256xbf16>
    %get3A_90 = arith.constant 512 : index
    %get3A_91 = arith.constant 0 : index
    %get3A_92 = vector.load %arg11[%get3A_90, %get3A_91] : memref<1024x1024xbf16, #tpu.memory_space<vmem>>, vector<256x1024xbf16>
    %dot_general3A_93 = arith.constant dense<0.000000e+00> : vector<1024x1024xf32>
    %dot_general3A_94 = tpu.matmul %convert_element_type3A_89, %get3A_92, %dot_general3A_93 {dimension_numbers = #tpu.dot_dimension_numbers<[1], [0], [0], [1], [0, 0, 1, 1], [], []>, transpose_lhs_hint = false} : vector<1024x256xbf16>, vector<256x1024xbf16>, vector<1024x1024xf32> -> vector<1024x1024xf32>
    %add3A_95 = arith.constant 2.000000e+00 : f32
    %add3A_96 = vector.broadcast %add3A_95 : f32 to vector<1024x1024xf32>
    %add3A_97 = arith.addf %dot_general3A_94, %add3A_96 : vector<1024x1024xf32>
    %bitcast_convert_type3A_98 = tpu.bitcast %add3A_97 : vector<1024x1024xf32> -> vector<1024x1024xi32>
    %and3A_99 = arith.constant -1024 : i32
    %and3A_100 = vector.broadcast %and3A_99 : i32 to vector<1024x1024xi32>
    %and3A_101 = arith.andi %bitcast_convert_type3A_98, %and3A_100 : vector<1024x1024xi32>
    %or3A_102 = arith.ori %and3A_101, %sub3A_15 : vector<1024x1024xi32>
    %reduce_max3A_103 = arith.constant dense<-2147483648> : vector<1024xi32>
    %reduce_max3A_104 = vector.multi_reduction <maxsi>, %or3A_102, %reduce_max3A_103 [0] : vector<1024x1024xi32> to vector<1024xi32>
    %and3A_105 = arith.constant -1024 : i32
    %and3A_106 = vector.broadcast %and3A_105 : i32 to vector<1024xi32>
    %and3A_107 = arith.andi %reduce_max3A_104, %and3A_106 : vector<1024xi32>
    %and3A_108 = arith.constant 1023 : i32
    %and3A_109 = vector.broadcast %and3A_108 : i32 to vector<1024xi32>
    %and3A_110 = arith.andi %reduce_max3A_104, %and3A_109 : vector<1024xi32>
    %sub3A_111 = arith.constant 1023 : i32
    %sub3A_112 = vector.broadcast %sub3A_111 : i32 to vector<1024xi32>
    %sub3A_113 = arith.subi %sub3A_112, %and3A_110 : vector<1024xi32>
    %add3A_114 = vector.broadcast %mul3A_13 : i32 to vector<1024xi32>
    %add3A_115 = arith.addi %add3A_114, %sub3A_113 : vector<1024xi32>
    %get3A_116 = arith.constant 1 : index
    %get3A_117 = arith.constant 0 : index
    %get3A_118 = vector.load %arg5[%get3A_116, %get3A_117] : memref<8x1024xi32, #tpu.memory_space<vmem>>, vector<1x1024xi32>
    %get3A_119 = vector.shape_cast %get3A_118 : vector<1x1024xi32> to vector<1024xi32>
    %gt3A_120 = arith.cmpi sgt, %and3A_107, %get3A_119 : vector<1024xi32>
    %get3A_121 = arith.constant 1 : index
    %get3A_122 = arith.constant 0 : index
    %get3A_123 = vector.load %arg5[%get3A_121, %get3A_122] : memref<8x1024xi32, #tpu.memory_space<vmem>>, vector<1x1024xi32>
    %get3A_124 = vector.shape_cast %get3A_123 : vector<1x1024xi32> to vector<1024xi32>
    %select_n3A_125 = arith.select %gt3A_120, %and3A_107, %get3A_124 : vector<1024xi1>, vector<1024xi32>
    %swap3A_126 = arith.constant 1 : index
    %swap3A_127 = arith.constant 0 : index
    %swap3A_128 = vector.load %arg5[%swap3A_126, %swap3A_127] : memref<8x1024xi32, #tpu.memory_space<vmem>>, vector<1x1024xi32>
    %swap3A_129 = vector.shape_cast %swap3A_128 : vector<1x1024xi32> to vector<1024xi32>
    %swap3A_130 = vector.shape_cast %select_n3A_125 : vector<1024xi32> to vector<1x1024xi32>
    tpu.vector_store %arg5[%swap3A_126, %swap3A_127], %swap3A_130 {strides = array<i32>} : memref<8x1024xi32, #tpu.memory_space<vmem>>, vector<1x1024xi32>,
    %get3A_131 = arith.constant 1 : index
    %get3A_132 = arith.constant 0 : index
    %get3A_133 = vector.load %arg6[%get3A_131, %get3A_132] : memref<8x1024xi32, #tpu.memory_space<vmem>>, vector<1x1024xi32>
    %get3A_134 = vector.shape_cast %get3A_133 : vector<1x1024xi32> to vector<1024xi32>
    %select_n3A_135 = arith.select %gt3A_120, %add3A_115, %get3A_134 : vector<1024xi1>, vector<1024xi32>
    %swap3A_136 = arith.constant 1 : index
    %swap3A_137 = arith.constant 0 : index
    %swap3A_138 = vector.load %arg6[%swap3A_136, %swap3A_137] : memref<8x1024xi32, #tpu.memory_space<vmem>>, vector<1x1024xi32>
    %swap3A_139 = vector.shape_cast %swap3A_138 : vector<1x1024xi32> to vector<1024xi32>
    %swap3A_140 = vector.shape_cast %select_n3A_135 : vector<1024xi32> to vector<1x1024xi32>
    tpu.vector_store %arg6[%swap3A_136, %swap3A_137], %swap3A_140 {strides = array<i32>} : memref<8x1024xi32, #tpu.memory_space<vmem>>, vector<1x1024xi32>,
    %slice3A_141 = vector.extract_strided_slice %dot_general3A_11 {offsets = [0, 768], sizes = [1024, 256], strides = [1, 1]} : vector<1024x1024xf32> to vector<1024x256xf32>
    %swap3A_142 = arith.constant 0 : index
    %swap3A_143 = arith.constant 0 : index
    %swap3A_144 = vector.load %arg10[%swap3A_142, %swap3A_143] : memref<1024x256xf32, #tpu.memory_space<vmem>>, vector<1024x256xf32>
    tpu.vector_store %arg10[%swap3A_142, %swap3A_143], %slice3A_141 {strides = array<i32>} : memref<1024x256xf32, #tpu.memory_space<vmem>>, vector<1024x256xf32>,
    %mul3A_145 = arith.mulf %slice3A_141, %slice3A_141 : vector<1024x256xf32>
    %reduce_sum3A_146 = arith.constant dense<0.000000e+00> : vector<1024xf32>
    %reduce_sum3A_147 = vector.multi_reduction <add>, %mul3A_145, %reduce_sum3A_146 [1] : vector<1024x256xf32> to vector<1024xf32>
    %broadcast_in_dim3A_148 = vector.shape_cast %reduce_sum3A_147 : vector<1024xf32> to vector<1024x1xf32>
    %sqrt3A_149 = math.sqrt %broadcast_in_dim3A_148 : vector<1024x1xf32>
    %max3A_150 = arith.constant 1.000000e-03 : f32
    %max3A_151 = vector.broadcast %max3A_150 : f32 to vector<1024x1xf32>
    %max3A_152 = arith.maximumf %sqrt3A_149, %max3A_151 : vector<1024x1xf32>
    %div3A_153 = arith.constant 1.000000e+00 : f32
    %div3A_154 = vector.broadcast %div3A_153 : f32 to vector<1024x1xf32>
    %div3A_155 = arith.divf %div3A_154, %max3A_152 : vector<1024x1xf32>
    %mul3A_156 = vector.broadcast %div3A_155 : vector<1024x1xf32> to vector<1024x256xf32>
    %mul3A_157 = arith.mulf %slice3A_141, %mul3A_156 : vector<1024x256xf32>
    %convert_element_type3A_158 = arith.truncf %mul3A_157 : vector<1024x256xf32> to vector<1024x256xbf16>
    %get3A_159 = arith.constant 768 : index
    %get3A_160 = arith.constant 0 : index
    %get3A_161 = vector.load %arg11[%get3A_159, %get3A_160] : memref<1024x1024xbf16, #tpu.memory_space<vmem>>, vector<256x1024xbf16>
    %dot_general3A_162 = arith.constant dense<0.000000e+00> : vector<1024x1024xf32>
    %dot_general3A_163 = tpu.matmul %convert_element_type3A_158, %get3A_161, %dot_general3A_162 {dimension_numbers = #tpu.dot_dimension_numbers<[1], [0], [0], [1], [0, 0, 1, 1], [], []>, transpose_lhs_hint = false} : vector<1024x256xbf16>, vector<256x1024xbf16>, vector<1024x1024xf32> -> vector<1024x1024xf32>
    %add3A_164 = arith.constant 2.000000e+00 : f32
    %add3A_165 = vector.broadcast %add3A_164 : f32 to vector<1024x1024xf32>
    %add3A_166 = arith.addf %dot_general3A_163, %add3A_165 : vector<1024x1024xf32>
    %bitcast_convert_type3A_167 = tpu.bitcast %add3A_166 : vector<1024x1024xf32> -> vector<1024x1024xi32>
    %and3A_168 = arith.constant -1024 : i32
    %and3A_169 = vector.broadcast %and3A_168 : i32 to vector<1024x1024xi32>
    %and3A_170 = arith.andi %bitcast_convert_type3A_167, %and3A_169 : vector<1024x1024xi32>
    %or3A_171 = arith.ori %and3A_170, %sub3A_15 : vector<1024x1024xi32>
    %reduce_max3A_172 = arith.constant dense<-2147483648> : vector<1024xi32>
    %reduce_max3A_173 = vector.multi_reduction <maxsi>, %or3A_171, %reduce_max3A_172 [0] : vector<1024x1024xi32> to vector<1024xi32>
    %and3A_174 = arith.constant -1024 : i32
    %and3A_175 = vector.broadcast %and3A_174 : i32 to vector<1024xi32>
    %and3A_176 = arith.andi %reduce_max3A_173, %and3A_175 : vector<1024xi32>
    %and3A_177 = arith.constant 1023 : i32
    %and3A_178 = vector.broadcast %and3A_177 : i32 to vector<1024xi32>
    %and3A_179 = arith.andi %reduce_max3A_173, %and3A_178 : vector<1024xi32>
    %sub3A_180 = arith.constant 1023 : i32
    %sub3A_181 = vector.broadcast %sub3A_180 : i32 to vector<1024xi32>
    %sub3A_182 = arith.subi %sub3A_181, %and3A_179 : vector<1024xi32>
    %add3A_183 = vector.broadcast %mul3A_13 : i32 to vector<1024xi32>
    %add3A_184 = arith.addi %add3A_183, %sub3A_182 : vector<1024xi32>
    %get3A_185 = arith.constant 2 : index
    %get3A_186 = arith.constant 0 : index
    %get3A_187 = vector.load %arg5[%get3A_185, %get3A_186] : memref<8x1024xi32, #tpu.memory_space<vmem>>, vector<1x1024xi32>
    %get3A_188 = vector.shape_cast %get3A_187 : vector<1x1024xi32> to vector<1024xi32>
    %gt3A_189 = arith.cmpi sgt, %and3A_176, %get3A_188 : vector<1024xi32>
    %get3A_190 = arith.constant 2 : index
    %get3A_191 = arith.constant 0 : index
    %get3A_192 = vector.load %arg5[%get3A_190, %get3A_191] : memref<8x1024xi32, #tpu.memory_space<vmem>>, vector<1x1024xi32>
    %get3A_193 = vector.shape_cast %get3A_192 : vector<1x1024xi32> to vector<1024xi32>
    %select_n3A_194 = arith.select %gt3A_189, %and3A_176, %get3A_193 : vector<1024xi1>, vector<1024xi32>
    %swap3A_195 = arith.constant 2 : index
    %swap3A_196 = arith.constant 0 : index
    %swap3A_197 = vector.load %arg5[%swap3A_195, %swap3A_196] : memref<8x1024xi32, #tpu.memory_space<vmem>>, vector<1x1024xi32>
    %swap3A_198 = vector.shape_cast %swap3A_197 : vector<1x1024xi32> to vector<1024xi32>
    %swap3A_199 = vector.shape_cast %select_n3A_194 : vector<1024xi32> to vector<1x1024xi32>
    tpu.vector_store %arg5[%swap3A_195, %swap3A_196], %swap3A_199 {strides = array<i32>} : memref<8x1024xi32, #tpu.memory_space<vmem>>, vector<1x1024xi32>,
    %get3A_200 = arith.constant 2 : index
    %get3A_201 = arith.constant 0 : index
    %get3A_202 = vector.load %arg6[%get3A_200, %get3A_201] : memref<8x1024xi32, #tpu.memory_space<vmem>>, vector<1x1024xi32>
    %get3A_203 = vector.shape_cast %get3A_202 : vector<1x1024xi32> to vector<1024xi32>
    %select_n3A_204 = arith.select %gt3A_189, %add3A_184, %get3A_203 : vector<1024xi1>, vector<1024xi32>
    %swap3A_205 = arith.constant 2 : index
    %swap3A_206 = arith.constant 0 : index
    %swap3A_207 = vector.load %arg6[%swap3A_205, %swap3A_206] : memref<8x1024xi32, #tpu.memory_space<vmem>>, vector<1x1024xi32>
    %swap3A_208 = vector.shape_cast %swap3A_207 : vector<1x1024xi32> to vector<1024xi32>
    %swap3A_209 = vector.shape_cast %select_n3A_204 : vector<1024xi32> to vector<1x1024xi32>
    tpu.vector_store %arg6[%swap3A_205, %swap3A_206], %swap3A_209 {strides = array<i32>} : memref<8x1024xi32, #tpu.memory_space<vmem>>, vector<1x1024xi32>,
    return
  }
  func.func @transform_0(%arg0: i32, %arg1: i32) -> (i32, i32) {
    %c0_i32 = arith.constant 0 : i32
    %c0_i32_0 = arith.constant 0 : i32
    %c0_i32_1 = arith.constant 0 : i32
    return %c0_i32, %c0_i32_0 : i32, i32
  }
  func.func @transform_1(%arg0: i32, %arg1: i32) -> (i32, i32, i32) {
    %c0_i32 = arith.constant 0 : i32
    %c0_i32_0 = arith.constant 0 : i32
    return %arg0, %arg1, %c0_i32 : i32, i32, i32
  }
  func.func @transform_2(%arg0: i32, %arg1: i32) -> (i32, i32) {
    %c0_i32 = arith.constant 0 : i32
    %c0_i32_0 = arith.constant 0 : i32
    %c0_i32_1 = arith.constant 0 : i32
    return %c0_i32, %c0_i32_0 : i32, i32
  }
  func.func @transform_3(%arg0: i32, %arg1: i32) -> (i32, i32) {
    %c0_i32 = arith.constant 0 : i32
    %c0_i32_0 = arith.constant 0 : i32
    %c0_i32_1 = arith.constant 0 : i32
    return %c0_i32, %c0_i32_0 : i32, i32
  }
  func.func @transform_4(%arg0: i32, %arg1: i32) -> (i32, i32) {
    %c0_i32 = arith.constant 0 : i32
    %c0_i32_0 = arith.constant 0 : i32
    %c0_i32_1 = arith.constant 0 : i32
    return %c0_i32, %c0_i32_0 : i32, i32
  }
  func.func @transform_5(%arg0: i32, %arg1: i32) -> (i32, i32) {
    %c0_i32 = arith.constant 0 : i32
    %c0_i32_0 = arith.constant 0 : i32
    %c0_i32_1 = arith.constant 0 : i32
    return %c0_i32, %c0_i32_0 : i32, i32
  }
  func.func @transform_6(%arg0: i32, %arg1: i32) -> (i32, i32) {
    %mul3A = arith.constant 4 : i32
    %mul3A_0 = arith.muli %arg0, %mul3A : i32
    %add3A = arith.addi %mul3A_0, %arg1 : i32
    %c0_i32 = arith.constant 0 : i32
    %c0_i32_1 = arith.constant 0 : i32
    return %add3A, %c0_i32 : i32, i32
  }
  func.func @transform_7(%arg0: i32, %arg1: i32) -> (i32, i32) {
    %mul3A = arith.constant 4 : i32
    %mul3A_0 = arith.muli %arg0, %mul3A : i32
    %add3A = arith.addi %mul3A_0, %arg1 : i32
    %c0_i32 = arith.constant 0 : i32
    %c0_i32_1 = arith.constant 0 : i32
    return %add3A, %c0_i32 : i32, i32
  }
  func.func @transform_8(%arg0: i32, %arg1: i32) -> (i32, i32) {
    %mul3A = arith.constant 4 : i32
    %mul3A_0 = arith.muli %arg0, %mul3A : i32
    %add3A = arith.addi %mul3A_0, %arg1 : i32
    %c0_i32 = arith.constant 0 : i32
    %c0_i32_1 = arith.constant 0 : i32
    return %add3A, %c0_i32 : i32, i32
  }
}

</mosaic_0001>

<sc_bundles>
// kernel: kernel.5.cloned.1.call-start
scs
__scs_entry_jumppad:
0x0: {  	(pc) =	sbr.rel $0x88, $3  }
0x1: {  	(tag) =	ssettag $0x0;
	lr =	simm.s32 $0x1  }
0x2: {  	[smem:$0x3F9E] =	sst lr;
	_ =	strace $0xD0000000  }
0x3: {  	_ = 	snop  }
0x4: {  	_ = 	snop  }
0x5: {  	_ = 	snop  }
0x6: {  	_ = 	snop  }
0x7: {  	_ = 	snop  }
__scs_overlays_trampoline_lowered:
0x8: {  	[smem:$0x3FAD] =	sst s0  }
0x9: {  	[smem:$0x3FAE] =	sst s1  }
0xa: {  	[smem:$0x3FAF] =	sst s2  }
0xb: {  	[smem:$0x3FB0] =	sst s3  }
0xc: {  	[smem:$0x3FB1] =	sst s4  }
0xd: {  	[smem:$0x3FB2] =	sst s5  }
0xe: {  	[smem:$0x3FB3] =	sst s6  }
0xf: {  	[smem:$0x3FB4] =	sst s7  }
0x10: {  	[smem:$0x3FB5] =	sst s8  }
0x11: {  	[smem:$0x3FB6] =	sst s9;
	s0 =	simm.s32 @!p0 $0x0  }
0x12: {  	s1 =	sld [smem:$0x3F9C];
	s0 =	simm.s32 @p0 $0x1  }
0x13: {  	[smem:$0x3FB7] =	sst s0;
	s0 =	simm.s32 @!p1 $0x0  }
0x14: {  	s2 =	sld [smem:$0x3F9B];
	s0 =	simm.s32 @p1 $0x1  }
0x15: {  	[smem:$0x3FB8] =	sst s0;
	s0 =	simm.s32 @!p2 $0x0  }
0x16: {  	s3 =	sld [smem:$0x3FDB];
	s0 =	simm.s32 @p2 $0x1  }
0x17: {  	s4 =	simm.s32 $0x1BF5;
	[smem:$0x3FBA] =	sst s0  }
0x18: {  	s0 =	sld [smem:$0x3F9D];
	_ =	swait.ge [sflag:s4], $0x0  }
0x19: {  	s7 =	sld [smem:$0x3F9E]  }
0x1a: {  	s8 =	sadd.s32 $0xFFFFE003, lr  }
0x1b: {  	s9 =	sadd.s32 $0xFFFFFEF7, lr;
	s5 =	simm.s32 $0xFFFFFFFF;
	p2 =	slt.u32 s8, $0xFFFFF086  }
0x1c: {  	p1 =	slt.u32 s9, $0xF7A;
	s5 =	simm.s32 @!p2 $0x0  }
0x1d: {  	s5 =	simm.s32 @p1 $0x1;
	p0 =	seq.s32 s7, s2  }
0x1e: {  	s7 =	smul.u32 @!p0 $0xF7A, s2;
	p2 =	seq.s32 @!p0 s5, $0x0  }
0x1f: {  	s9 =	smul.u32 $0xF7A, s1;
	s8 =	simm.s32 @!p0 $0x1BF5;
	p2 =	por !p2, p0  }
0x20: {  	[sflag:s8] =	ssyncset.s32 @!p0 $0xFFFFF086;
	s6 =	sadd.s32 @!p0 s3, s7;
	s7 =	simm.s32 @!p0 $0x108  }
0x21: {  	s3 =	sadd.s32 s3, s9;
	s6 =	sadd.s32 @!p0 $0x88, s6;
	s7 =	simm.s32 @p2 $0x1082  }
0x22: {  	[simem:s7], [sflag:s8] =	dma.local @!p0 [hbm:s6], $0xF7A  }
0x23: {  	s9 =	sor.u32 $0xD0000000, s2;
	s6 =	simm.s32 $0x108;
	_ =	swait.ge @!p0 [sflag:s8], $0x0  }
0x24: {  	s3 =	sadd.s32 $0x88, s3;
	s6 =	simm.s32 @!p1 $0x1082;
	[sflag:s4] =	ssyncset.s32 $0xFFFFF086  }
0x25: {  	[simem:s6], [sflag:s4] =	dma.local [hbm:s3], $0xF7A  }
0x26: {  	[smem:$0x3F9E] =	sst s1;
	(tag) =	ssettag s2;
	_ =	strace s9  }
0x27: {  	s1 =	sld [smem:$0x3FAE]  }
0x28: {  	s2 =	sld [smem:$0x3FAF]  }
0x29: {  	s4 =	sld [smem:$0x3FB1]  }
0x2a: {  	p0 =	seq.s32 s5, $0x0;
	s5 =	sld [smem:$0x3FB2]  }
0x2b: {  	s6 =	sld [smem:$0x3FB3]  }
0x2c: {  	s7 =	sld [smem:$0x3FB4]  }
0x2d: {  	s3 =	simm.s32 $0x108;
	s8 =	sld [smem:$0x3FB5]  }
0x2e: {  	s3 =	simm.s32 @!p0 $0x1082;
	s9 =	sld [smem:$0x3FB6]  }
0x2f: {  	lr =	sadd.s32 s0, s3;
	s0 =	sld [smem:$0x3FAD]  }
0x30: {  	s3 =	sld [smem:$0x3FB0]  }
0x31: {  	[smem:$0x3FB9] =	sst s10  }
0x32: {  	s10 =	sld [smem:$0x3FB7];
	_ =	sdelay $0x3  }
0x33: {  	p0 =	seq.s32 s10, $0x1;
	s10 =	sld [smem:$0x3FB9];
	_ =	sdelay $0x3  }
0x34: {  	[smem:$0x3FB9] =	sst s10  }
0x35: {  	s10 =	sld [smem:$0x3FB8];
	_ =	sdelay $0x3  }
0x36: {  	p1 =	seq.s32 s10, $0x1;
	s10 =	sld [smem:$0x3FB9];
	_ =	sdelay $0x3  }
0x37: {  	[smem:$0x3FB9] =	sst s10  }
0x38: {  	s10 =	sld [smem:$0x3FBA]  }
0x39: {  	_ = 	snop;
	(pc) =	sbr.ind lr, $3  }
0x3a: {  	_ = 	snop  }
0x3b: {  	_ = 	snop  }
0x3c: {  	p2 =	seq.s32 s10, $0x1;
	s10 =	sld [smem:$0x3FB9]  }
0x3d: {  	_ =	shalt  }
0x3e: {  	_ =	shalt  }
0x3f: {  	_ =	shalt  }
0x40: {  	_ =	shalt  }
0x41: {  	_ =	shalt  }
0x42: {  	_ =	shalt  }
0x43: {  	_ =	shalt  }
0x44: {  	_ =	shalt  }
0x45: {  	_ =	shalt  }
0x46: {  	_ =	shalt  }
0x47: {  	_ =	shalt  }
0x48: {  	_ =	shalt  }
0x49: {  	_ =	shalt  }
0x4a: {  	_ =	shalt  }
0x4b: {  	_ =	shalt  }
0x4c: {  	_ =	shalt  }
0x4d: {  	_ =	shalt  }
0x4e: {  	_ =	shalt  }
0x4f: {  	_ =	shalt  }
0x50: {  	_ =	shalt  }
0x51: {  	_ =	shalt  }
0x52: {  	_ =	shalt  }
0x53: {  	_ =	shalt  }
0x54: {  	_ =	shalt  }
0x55: {  	_ =	shalt  }
0x56: {  	_ =	shalt  }
0x57: {  	_ =	shalt  }
0x58: {  	_ =	shalt  }
0x59: {  	_ =	shalt  }
0x5a: {  	_ =	shalt  }
0x5b: {  	_ =	shalt  }
0x5c: {  	_ =	shalt  }
0x5d: {  	_ =	shalt  }
0x5e: {  	_ =	shalt  }
0x5f: {  	_ =	shalt  }
0x60: {  	_ =	shalt  }
0x61: {  	_ =	shalt  }
0x62: {  	_ =	shalt  }
0x63: {  	_ =	shalt  }
0x64: {  	_ =	shalt  }
0x65: {  	_ =	shalt  }
0x66: {  	_ =	shalt  }
0x67: {  	_ =	shalt  }
0x68: {  	_ =	shalt  }
0x69: {  	_ =	shalt  }
0x6a: {  	_ =	shalt  }
0x6b: {  	_ =	shalt  }
0x6c: {  	_ =	shalt  }
0x6d: {  	_ =	shalt  }
0x6e: {  	_ =	shalt  }
0x6f: {  	_ =	shalt  }
0x70: {  	_ =	shalt  }
0x71: {  	_ =	shalt  }
0x72: {  	_ =	shalt  }
0x73: {  	_ =	shalt  }
0x74: {  	_ =	shalt  }
0x75: {  	_ =	shalt  }
0x76: {  	_ =	shalt  }
0x77: {  	_ =	shalt  }
0x78: {  	_ =	shalt  }
0x79: {  	_ =	shalt  }
0x7a: {  	_ =	shalt  }
0x7b: {  	_ =	shalt  }
0x7c: {  	_ =	shalt  }
0x7d: {  	_ =	shalt  }
0x7e: {  	_ =	shalt  }
0x7f: {  	_ =	shalt  }
0x80: {  	_ =	shalt  }
0x81: {  	_ =	shalt  }
0x82: {  	_ =	shalt  }
0x83: {  	_ =	shalt  }
0x84: {  	_ =	shalt  }
0x85: {  	_ =	shalt  }
0x86: {  	_ =	shalt  }
0x87: {  	_ =	shalt  }
.Lfunc_end0:
.L_simem_size_0:
called_computation_lowered:
.L_overlay_start_0:
0x88: {  	s2 =	sld [smem:$0x3FD9]  }
0x89: {  	s3 =	sld [smem:$0x3FFE];
	_ =	sdelay $0x1  }
0x8a: {  	s1 =	srdreg.scid  }
0x8b: {  	s0 =	sand.u32 $0x1, s1  }
0x8c: {  	s16 =	sshll.u32 s0, $0xA;
	s2 =	sadd.s32 s3, s2  }
0x8d: {  	s2 =	sadd.s32 s2, s16  }
0x8e: {  	[smem:$0x3FC5] =	sst s2  }
0x8f: {  	_ = 	snop  }
0x90: {  	(tm) =	ssettm $0x1  }
0x91: {  	s17 =	sld [smem:$0x3FFB];
	_ =	sdelay $0x3  }
0x92: {  	_ =	strace s17  }
0x93: {  	s2 =	sld [smem:$0x3FFC];
	_ =	sdelay $0x3  }
0x94: {  	_ =	strace s2  }
0x95: {  	s2 =	sld [smem:$0x3FFD];
	_ =	sdelay $0x3  }
0x96: {  	_ =	strace s2  }
0x97: {  	_ =	strace $0x8FFFFFFF  }
0x98: {  	s18 =	sld [smem:$0x3FDB];
	_ =	sdelay $0x1  }
0x99: {  	s19 =	simm.s32 $_scs_section_size  }
0x9a: {  	s4 =	simm.s32 $_size__tile_overlayer_lowered;
	s5 =	simm.s32 $_tile_overlayer_lowered  }
0x9b: {  	s22 =	simm.s32 $0x1BFF;
	s21 =	sshll.u32 s5, $0x1;
	s2 =	sadd.s32 s19, s18  }
0x9c: {  	s6 =	simm.s32 $0x0;
	s20 =	sshll.u32 s4, $0x1;
	s4 =	sadd.s32 s21, s2  }
0x9d: {  	[timem:s6], [sflag:s22] =	dma.local [hbm:s4], s20  }
0x9e: {  	_ =	swait.ge [sflag:s22], s20  }
0x9f: {  	s3 =	ssub.s32 $0x0, s20;
	[sflag:s22] =	ssyncset.done $0x0  }
0xa0: {  	[sflag:s22] =	ssyncadd.s32 s3;
	_ =	sdelay $0x1  }
0xa1: {  	s23 =	simm.s32 $0x1B8B  }
0xa2: {  	_ =	swait.ge [sflag:s23], $0x1  }
0xa3: {  	[sflag:s23] =	ssyncset.done $0x0  }
0xa4: {  	s25 =	simm.s32 $0x1B8E;
	s24 =	sld [smem:$0x3FFE];
	[sflag:s23] =	ssyncadd.s32 $0xFFFFFFFF  }
0xa5: {  	s26 =	simm.s32 $execute0_lowered;
	[smem:$0x3FD2] =	sst s25  }
0xa6: {  	s4 =	sshll.u32 s26, $0x1;
	_ =	strace $0x80000046;
	[dreg:$0x1] =	wrdreg $0xFFFFFFFF  }
0xa7: {  	s28 =	simm.s32 $_size_execute0_lowered;
	s2 =	sadd.s32 s2, s4;
	[dreg:$0x0] =	wrdreg $0x0  }
0xa8: {  	s4 =	sshll.u32 s28, $0x1;
	[dreg:$0x2] =	wrdreg s2  }
0xa9: {  	[dreg:$0x3] =	wrdreg s4  }
0xaa: {  	[dreg:$0x4] =	wrdreg $0xC0  }
0xab: {  	_ =	task [dreg:s6], $0x5FFFF  }
0xac: {  	[dreg:$0x1] =	wrdreg $0xFFFFFFFF  }
0xad: {  	[dreg:$0x0] =	wrdreg $0x60  }
0xae: {  	[dreg:$0x2] =	wrdreg s24  }
0xaf: {  	[dreg:$0x3] =	wrdreg $0x9  }
0xb0: {  	_ =	task.clear_ibuf [dreg:s6], $0x4FFFF;
	_ =	strace $0x90000046  }
0xb1: {  	s29 =	simm.s32 $0x9;
	_ =	strace $0x80000048  }
0xb2: {  	_ =	swait.ge [sflag:s29], $0x1  }
0xb3: {  	[sflag:s29] =	ssyncadd.s32 $0xFFFFFFFF  }
0xb4: {  	_ =	strace $0x90000048  }
0xb5: {  	_ =	sfence  }
0xb6: {  	s30 =	sld [smem:$0x0];
	_ =	sdelay $0x2  }
0xb7: {  	s31 =	sshll.u32 s1, $0xD;
	s1 =	sshrl.u32 s1, $0x2  }
0xb8: {  	s3 =	sand.u32 $0x4000, s31;
	s1 =	sadd.s32 s1, s30  }
0xb9: {  	s0 =	sor.u32 s3, s0;
	s1 =	sshll.u32 s1, $0x11  }
0xba: {  	s0 =	sor.u32 s1, s0  }
0xbb: {  	s0 =	sadd.s32 $0x8F2B, s0  }
0xbc: {  	[sflag:s0] =	ssyncadd.remote.s32 $0x1  }
0xbd: {  	_ =	sfence.sel $0xFFFF  }
0xbe: {  	[dreg:$0x0] =	wrdreg $0xFFFFFFFF;
	(pc) =	sbr.abs _section_cstart, $3  }
0xbf: {  	[dreg:$0x1] =	wrdreg $0xFFFFFFFF  }
0xc0: {  	_ =	task.clear_ibuf [dreg:s6], $0x2FFFF;
	_ =	strace $0x9FFFFFFF  }
0xc1: {  	(tm) =	ssettm $0x7FFFFFFF  }
tec
execute0_lowered:
.L_overlay_start_1:
0x0: {  	(tag) =	ssettag $0x1  }
0x1: {  	s0 =	srdreg.scid;
	s6 =	rddreg [dreg:$0x0]  }
0x2: {  	s1 =	stileid.u32;
	s2 =	simm.s32 $0x0;
	s15 =	simm.s32 $0x880  }
0x3: {  	s16 =	simm.s32 $0x1080;
	s17 =	simm.s32 $0x1880;
	s18 =	simm.s32 $0x2080  }
0x4: {  	s19 =	simm.s32 $0x2880;
	s20 =	simm.s32 $0x3080;
	s21 =	simm.s32 $0x3880  }
0x5: {  	s23 =	simm.s32 $0x4080;
	s28 =	simm.s32 $0x6080;
	s29 =	simm.s32 $0x6880  }
0x6: {  	s30 =	simm.s32 $0x7080;
	s31 =	simm.s32 $0x7880;
	s7 =	sand.u32 $0x1, s0  }
0x7: {  	s3 =	sshll.u32 s1, $0x6;
	s24 =	sshll.u32 s1, $0x9;
	[smem:$0x7FF] =	sst s2  }
0x8: {  	s4 =	sshll.u32 s7, $0x5;
	_ =	strace $0x80000047;
	s7 =	ssub.s32 $0x2, s7  }
0x9: {  	s8 =	sor.u32 s4, s3;
	s4 =	sadd.s32 $0x101600, s6;
	s26 =	sshrl.u32 s7, $0x1  }
0xa: {  	s3 =	sor.u32 s24, s8;
	s25 =	sshll.u32 s8, $0x6;
	s8 =	sshll.u32 s8, $0x5  }
0xb: {  	s13 =	ssub.s32 s7, s26;
	s24 =	simm.s32 $0x4880;
	s5 =	sand.u32 $0x1C60, s3  }
0xc: {  	s26 =	simm.s32 $0x5880;
	s3 =	sadd.s32 $0x1600, s6;
	s9 =	sshrl.u32 s5, $0x3  }
0xd: {  	s11 =	sadd.s32 s8, s6;
	s5 =	sadd.s32 $0x181600, s6;
	s10 =	sadd.s32 s9, s6  }
0xe: {  	s9 =	sadd.s32 s25, s6;
	s6 =	sadd.s32 $0x1700, s6;
	s25 =	simm.s32 $0x5080  }
0xf: {  	s12 =	sadd.s32 $0x201600, s10;
	s7 =	sadd.s32 $0x201A00, s9  }
0x10: {  	s14 =	simm.s32 $0x80;
	v2 =	vlaneseq.u32;
	s8 =	sadd.s32 $0x201610, s10;
	s9 =	sadd.s32 $0x211A00, s11  }
0x11: {  	s22 =	simm.s32 $0x1;
	vm0 =	vmmov $0xffff;
	v1 =	vshrl.u32 v2, $0x3;
	s10 =	sadd.s32 $0x201620, s10;
	s11 =	sadd.s32 $0x219A00, s11  }
0x12: {  	v0 =	vand.u32 $0x7, v2;
	v2 =	vor.u32 $0x8, v2;
	v1 =	vmul.u32 $0x8, v1;
	[dreg:$0x2] =	wrdreg s12;
	s12 =	smax.u32 s13, $0x1;
	s13 =	simm.s32 $0x2  }
.LBB2_1:
0x13: {  	s0 =	rddreg [dreg:$0x2]  }
0x14: {  	[tilespmem:s2], [sflag:$0x2] =	stream.linear.gather [hbm4b:s0+s2], $0x20, $0x38;
	[tilespmem:$0x8080] =	vst v63  }
0x15: {  	_ =	swait.ge [sflag:s13], $0x20  }
0x16: {  	[sflag:s13] =	ssyncset.done $0x0  }
0x17: {  	[sflag:s13] =	ssyncadd.s32 $0xFFFFFFE0  }
0x18: {  	v3 =	vld [tilespmem:$0x0];
	_ =	sdelay $0x4  }
0x19: {  	v4 =	vshll.u32 v3, $0x2  }
0x1a: {  	v3 =	vand.u32 $0x7, v3;
	v4 =	vand.u32 $0xFFFFFFE0, v4  }
0x1b: {  	v3 =	vor.u32 v3, v4  }
0x1c: {  	v4 =	vperm.xlane v3, v0;
	_ =	sdelay $0x1  }
0x1d: {  	v4 =	vadd.s32 v1, v4;
	_ =	sdelay $0x1  }
0x1e: {  	v3 =	vperm.xlane v3, v2;
	_ =	sdelay $0x1  }
0x1f: {  	v3 =	vadd.s32 v1, v3  }
0x20: {  	[tilespmem:s14], [sflag:$0x1] =	stream.indirect_vreg.gather [hbm4b:s3+s2], $0x80, v4, vm0, $0xb8;
	[tilespmem:$0x8080] =	vst v63  }
0x21: {  	_ = 	snop  }
0x22: {  	[tilespmem:s15], [sflag:$0x1] =	stream.indirect_vreg.gather [hbm4b:s6+s2], $0x80, v4, vm0, $0xb8;
	[tilespmem:$0x8080] =	vst v63  }
0x23: {  	_ = 	snop  }
0x24: {  	[tilespmem:s16], [sflag:$0x1] =	stream.indirect_vreg.gather [hbm4b:s3+s2], $0x80, v3, vm0, $0xb8;
	[tilespmem:$0x8080] =	vst v63  }
0x25: {  	_ = 	snop  }
0x26: {  	[tilespmem:s17], [sflag:$0x1] =	stream.indirect_vreg.gather [hbm4b:s6+s2], $0x80, v3, vm0, $0xb8;
	[tilespmem:$0x8080] =	vst v63  }
0x27: {  	v3 =	vld [tilespmem:$0x10];
	_ =	sdelay $0x4  }
0x28: {  	v59 =	vshll.u32 v3, $0x2  }
0x29: {  	v3 =	vand.u32 $0x7, v3;
	v4 =	vand.u32 $0xFFFFFFE0, v59  }
0x2a: {  	v3 =	vor.u32 v3, v4  }
0x2b: {  	v4 =	vperm.xlane v3, v0;
	_ =	sdelay $0x1  }
0x2c: {  	v4 =	vadd.s32 v1, v4;
	_ =	sdelay $0x1  }
0x2d: {  	v3 =	vperm.xlane v3, v2;
	_ =	sdelay $0x1  }
0x2e: {  	v3 =	vadd.s32 v1, v3  }
0x2f: {  	[tilespmem:s18], [sflag:$0x1] =	stream.indirect_vreg.gather [hbm4b:s3+s2], $0x80, v4, vm0, $0xb8;
	[tilespmem:$0x8080] =	vst v63  }
0x30: {  	_ = 	snop  }
0x31: {  	[tilespmem:s19], [sflag:$0x1] =	stream.indirect_vreg.gather [hbm4b:s6+s2], $0x80, v4, vm0, $0xb8;
	[tilespmem:$0x8080] =	vst v63  }
0x32: {  	_ = 	snop  }
0x33: {  	[tilespmem:s20], [sflag:$0x1] =	stream.indirect_vreg.gather [hbm4b:s3+s2], $0x80, v3, vm0, $0xb8;
	[tilespmem:$0x8080] =	vst v63  }
0x34: {  	_ = 	snop  }
0x35: {  	[tilespmem:s21], [sflag:$0x1] =	stream.indirect_vreg.gather [hbm4b:s6+s2], $0x80, v3, vm0, $0xb8;
	[tilespmem:$0x8080] =	vst v63  }
0x36: {  	_ =	swait.ge [sflag:s22], $0x4000  }
0x37: {  	[sflag:s22] =	ssyncset.done $0x0  }
0x38: {  	[sflag:s22] =	ssyncadd.s32 $0xFFFFC000  }
0x39: {  	[hbm4b:s7+s2] =	stream.linear.scatter [tilespmem:s14], [sflag:$0x2], $0x4000, $0x38;
	[tilespmem:$0x8080] =	vst v63  }
0x3a: {  	_ =	swait.ge [sflag:s13], $0x4000  }
0x3b: {  	[sflag:s13] =	ssyncset.done $0x0  }
0x3c: {  	[sflag:s13] =	ssyncadd.s32 $0xFFFFC000  }
0x3d: {  	[tilespmem:s2], [sflag:$0x2] =	stream.linear.gather [hbm4b:s8+s2], $0x20, $0x38;
	[tilespmem:$0x8080] =	vst v63  }
0x3e: {  	_ =	swait.ge [sflag:s13], $0x20  }
0x3f: {  	[sflag:s13] =	ssyncset.done $0x0  }
0x40: {  	[sflag:s13] =	ssyncadd.s32 $0xFFFFFFE0  }
0x41: {  	v3 =	vld [tilespmem:$0x0];
	_ =	sdelay $0x4  }
0x42: {  	v60 =	vshll.u32 v3, $0x1  }
0x43: {  	v3 =	vand.u32 $0x7, v3;
	v4 =	vand.u32 $0xFFFFFFF0, v60  }
0x44: {  	v3 =	vor.u32 v3, v4  }
0x45: {  	v4 =	vperm.xlane v3, v0;
	_ =	sdelay $0x1  }
0x46: {  	v3 =	vperm.xlane v3, v2;
	v4 =	vadd.s32 v1, v4;
	_ =	sdelay $0x1  }
0x47: {  	v3 =	vadd.s32 v1, v3;
	_ =	sdelay $0x2  }
0x48: {  	[tilespmem:s23], [sflag:$0x1] =	stream.indirect_vreg.gather [hbm4b:s4+s2], $0x80, v4, vm0, $0xb8;
	[tilespmem:$0x8080] =	vst v63  }
0x49: {  	_ = 	snop  }
0x4a: {  	[tilespmem:s24], [sflag:$0x1] =	stream.indirect_vreg.gather [hbm4b:s4+s2], $0x80, v3, vm0, $0xb8;
	[tilespmem:$0x8080] =	vst v63  }
0x4b: {  	v3 =	vld [tilespmem:$0x10];
	_ =	sdelay $0x4  }
0x4c: {  	v61 =	vshll.u32 v3, $0x1  }
0x4d: {  	v3 =	vand.u32 $0x7, v3;
	v4 =	vand.u32 $0xFFFFFFF0, v61  }
0x4e: {  	v3 =	vor.u32 v3, v4  }
0x4f: {  	v4 =	vperm.xlane v3, v0;
	_ =	sdelay $0x1  }
0x50: {  	v3 =	vperm.xlane v3, v2;
	v4 =	vadd.s32 v1, v4;
	_ =	sdelay $0x1  }
0x51: {  	v3 =	vadd.s32 v1, v3;
	_ =	sdelay $0x2  }
0x52: {  	[tilespmem:s25], [sflag:$0x1] =	stream.indirect_vreg.gather [hbm4b:s4+s2], $0x80, v4, vm0, $0xb8;
	[tilespmem:$0x8080] =	vst v63  }
0x53: {  	_ = 	snop  }
0x54: {  	[tilespmem:s26], [sflag:$0x1] =	stream.indirect_vreg.gather [hbm4b:s4+s2], $0x80, v3, vm0, $0xb8;
	[tilespmem:$0x8080] =	vst v63  }
0x55: {  	_ =	swait.ge [sflag:s22], $0x2000  }
0x56: {  	[sflag:s22] =	ssyncset.done $0x0  }
0x57: {  	[sflag:s22] =	ssyncadd.s32 $0xFFFFE000  }
0x58: {  	[hbm4b:s9+s2] =	stream.linear.scatter [tilespmem:s23], [sflag:$0x2], $0x2000, $0x38;
	[tilespmem:$0x8080] =	vst v63  }
0x59: {  	_ =	swait.ge [sflag:s13], $0x2000  }
0x5a: {  	[sflag:s13] =	ssyncset.done $0x0  }
0x5b: {  	[sflag:s13] =	ssyncadd.s32 $0xFFFFE000  }
0x5c: {  	[tilespmem:s2], [sflag:$0x2] =	stream.linear.gather [hbm4b:s10+s2], $0x20, $0x38;
	[tilespmem:$0x8080] =	vst v63  }
0x5d: {  	_ =	swait.ge [sflag:s13], $0x20  }
0x5e: {  	[sflag:s13] =	ssyncset.done $0x0  }
0x5f: {  	[sflag:s13] =	ssyncadd.s32 $0xFFFFFFE0  }
0x60: {  	v3 =	vld [tilespmem:$0x0];
	_ =	sdelay $0x4  }
0x61: {  	v62 =	vshll.u32 v3, $0x1  }
0x62: {  	v3 =	vand.u32 $0x7, v3;
	v4 =	vand.u32 $0xFFFFFFF0, v62  }
0x63: {  	v3 =	vor.u32 v3, v4  }
0x64: {  	v4 =	vperm.xlane v3, v0;
	_ =	sdelay $0x1  }
0x65: {  	v3 =	vperm.xlane v3, v2;
	v4 =	vadd.s32 v1, v4;
	_ =	sdelay $0x1  }
0x66: {  	v3 =	vadd.s32 v1, v3;
	_ =	sdelay $0x2  }
0x67: {  	[tilespmem:s28], [sflag:$0x1] =	stream.indirect_vreg.gather [hbm4b:s5+s2], $0x80, v4, vm0, $0xb8;
	[tilespmem:$0x8080] =	vst v63  }
0x68: {  	_ = 	snop  }
0x69: {  	[tilespmem:s29], [sflag:$0x1] =	stream.indirect_vreg.gather [hbm4b:s5+s2], $0x80, v3, vm0, $0xb8;
	[tilespmem:$0x8080] =	vst v63  }
0x6a: {  	v3 =	vld [tilespmem:$0x10];
	_ =	sdelay $0x4  }
0x6b: {  	v63 =	vshll.u32 v3, $0x1  }
0x6c: {  	v3 =	vand.u32 $0x7, v3;
	v4 =	vand.u32 $0xFFFFFFF0, v63  }
0x6d: {  	v3 =	vor.u32 v3, v4  }
0x6e: {  	v4 =	vperm.xlane v3, v0;
	_ =	sdelay $0x1  }
0x6f: {  	v3 =	vperm.xlane v3, v2;
	v4 =	vadd.s32 v1, v4;
	_ =	sdelay $0x1  }
0x70: {  	v3 =	vadd.s32 v1, v3;
	_ =	sdelay $0x2  }
0x71: {  	[tilespmem:s30], [sflag:$0x1] =	stream.indirect_vreg.gather [hbm4b:s5+s2], $0x80, v4, vm0, $0xb8;
	[tilespmem:$0x8080] =	vst v63  }
0x72: {  	_ = 	snop  }
0x73: {  	[tilespmem:s31], [sflag:$0x1] =	stream.indirect_vreg.gather [hbm4b:s5+s2], $0x80, v3, vm0, $0xb8;
	[tilespmem:$0x8080] =	vst v63  }
0x74: {  	_ =	swait.ge [sflag:s22], $0x2000  }
0x75: {  	p0 =	sne.s32 s12, $0x1;
	[sflag:s22] =	ssyncset.done $0x0  }
.Ltmp0:
0x76: {  	[sflag:s22] =	ssyncadd.s32 $0xFFFFE000;
	(pc) =	sbr.rel @p0 .LBB2_1-.Ltmp0, $4  }
0x77: {  	[hbm4b:s11+s2] =	stream.linear.scatter [tilespmem:s28], [sflag:$0x2], $0x2000, $0x38;
	[tilespmem:$0x8080] =	vst v63  }
0x78: {  	_ =	swait.ge [sflag:s13], $0x2000  }
0x79: {  	[sflag:s13] =	ssyncset.done $0x0  }
0x7a: {  	s12 =	sadd.s32 $0xFFFFFFFF, s12;
	[sflag:s13] =	ssyncadd.s32 $0xFFFFE000  }
0x7b: {  	_ =	sfence.sel $0x180000  }
0x7c: {  	[bflag:$0x0] =	sbarrier.arrive $0xFFFF  }
0x7d: {  	_ =	strace $0x90000047  }
0x7e: {  	[bflag:$0x2] =	sbarrier.arrive $0xFFFF  }
0x7f: {  	p0 =	sne.s32 s1, $0x0;
	s0 =	rddreg [dreg:$0x1]  }
0x80: {  	s0 =	sadd.s32 @!p0 $0x100000, s0  }
0x81: {  	[sflag:s0] =	ssyncadd.tile.s32 @!p0 $0x1;
	_ =	shalt  }
.Lfunc_end2:
_tile_overlayer_lowered:
.L_overlay_start_2:
0x82: {  	(tag) =	ssettag $0x2  }
0x83: {  	s0 =	rddreg [dreg:$0x0];
	s2 =	stileid.u32  }
0x84: {  	s1 =	rddreg [dreg:$0x1];
	p0 =	sne.s32 s2, $0x0  }
0x85: {  	s3 =	rddreg [dreg:$0x2];
	[bflag:$0x3] =	sbarrier.arrive $0xFFFF;
	s2 =	simm.s32 @!p0 $0x1C02  }
0x86: {  	[timem:s3], [sflag:s2] =	dma.local @!p0 [hbm:s0], s1  }
0x87: {  	s0 =	simm.s32 @!p0 $0x2  }
0x88: {  	_ =	swait.ge @!p0 [sflag:s0], s1  }
0x89: {  	s1 =	ssub.s32 @!p0 $0x0, s1;
	[sflag:s0] =	ssyncset.done @!p0 $0x0  }
0x8a: {  	[sflag:s0] =	ssyncadd.s32 @!p0 s1  }
0x8b: {  	[bflag:$0x3] =	sbarrier.arrive $0xFFFF  }
0x8c: {  	_ =	shalt  }

</sc_bundles>
